<compile_context>
chip_gen: v7x
topology: tpu7x:2x2x1
jax: 0.10.2.dev20260603
libtpu: 0.0.44.dev20260713+nightly
codegen_flags: <defaults>
</compile_context>

<pallas_src>
import functools

import jax
import jax.numpy as jnp
from jax import lax
from jax.experimental import pallas as pl
from jax.experimental.pallas import tpu as pltpu
from jax.experimental.pallas import tpu_sc as plsc

N = 10000
E = 160000
C = 128
K = 27
EPS = 1e-5
SLOPE = 0.01

NC = 2
NS = 16
NT = NC * NS
CHUNK = 128
NCHUNK = 40
EP = NT * NCHUNK * CHUNK
NBUF = 2

NPAD = 10240
RPT = NPAD // NS

RB = 400
NB = N // RB


def _mm_body(x_ref, w_ref, o_ref):
    xb = x_ref[...]
    for k in range(K):
        o_ref[k] = jnp.dot(xb, w_ref[k], preferred_element_type=jnp.float32)


def _mm(feat, W):
    return pl.pallas_call(
        _mm_body,
        grid=(NB,),
        in_specs=[
            pl.BlockSpec((RB, C), lambda i: (i, 0)),
            pl.BlockSpec((K, C, C), lambda i: (0, 0, 0)),
        ],
        out_specs=pl.BlockSpec((K, RB, C), lambda i: (0, i, 0)),
        out_shape=jax.ShapeDtypeStruct((K, N, C), jnp.float32),
    )(feat, W)


def _sc_body(y_hbm, src_hbm, kid_hbm, dst_hbm, zeros_hbm, out_hbm,
             flat_v, kid_v, dst_v, rows_v, acc_sh, gsem):
    cid = lax.axis_index("c")
    sid = lax.axis_index("s")
    t = cid * NS + sid

    pltpu.sync_copy(src_hbm.at[t], flat_v)
    pltpu.sync_copy(kid_hbm.at[t], kid_v)
    pltpu.sync_copy(dst_hbm.at[t], dst_v)
    rows = pl.ds(sid * RPT, RPT)
    pltpu.sync_copy(zeros_hbm.at[rows], acc_sh.at[rows])

    def addr(j, carry):
        for u in range(CHUNK // 16):
            sl = pl.ds(u * 16, 16)
            flat_v[j, sl] = kid_v[j, sl] * N + flat_v[j, sl]
        return carry
    lax.fori_loop(0, NCHUNK, addr, 0)
    plsc.subcore_barrier()

    for b in range(NBUF):
        pltpu.async_copy(y_hbm.at[flat_v.at[b]], rows_v.at[b], gsem)

    def body(i, carry):
        b = lax.rem(i, NBUF)
        pltpu.make_async_copy(
            y_hbm.at[flat_v.at[i]], rows_v.at[b], gsem).wait()
        pltpu.sync_copy(rows_v.at[b], acc_sh.at[dst_v.at[i]], add=True)

        @pl.when(i < NCHUNK - NBUF)
        def _():
            pltpu.async_copy(
                y_hbm.at[flat_v.at[i + NBUF]], rows_v.at[b], gsem)
        return carry
    lax.fori_loop(0, NCHUNK, body, 0)
    plsc.subcore_barrier()
    pltpu.sync_copy(acc_sh.at[rows], out_hbm.at[cid, rows])


def _sc_segsum(y_flat, src3d, kid3d, dst3d, zeros):
    mesh = plsc.VectorSubcoreMesh(
        core_axis_name="c", subcore_axis_name="s",
        num_cores=NC, num_subcores=NS)
    f = functools.partial(
        pl.kernel,
        out_type=jax.ShapeDtypeStruct((NC, NPAD, C), jnp.float32),
        mesh=mesh,
        scratch_types=[
            pltpu.VMEM((NCHUNK, CHUNK), jnp.int32),
            pltpu.VMEM((NCHUNK, CHUNK), jnp.int32),
            pltpu.VMEM((NCHUNK, CHUNK), jnp.int32),
            pltpu.VMEM((NBUF, CHUNK, C), jnp.float32),
            pltpu.VMEM_SHARED((NPAD, C), jnp.float32),
            pltpu.SemaphoreType.DMA,
        ],
    )(_sc_body)
    return f(y_flat, src3d, kid3d, dst3d, zeros)


def _bn_mid_body(p_ref, g_ref, b_ref, o_ref):
    h = p_ref[0] + p_ref[1]
    h = jnp.where(h >= 0, h, SLOPE * h)
    m = jnp.mean(h, axis=0, keepdims=True)
    d = h - m
    v = jnp.mean(d * d, axis=0, keepdims=True)
    o_ref[...] = g_ref[...] * d / jnp.sqrt(v + EPS) + b_ref[...]


def _bn_mid(p, g, b):
    return pl.pallas_call(
        _bn_mid_body,
        out_shape=jax.ShapeDtypeStruct((N, C), jnp.float32),
    )(p, g.reshape(1, C), b.reshape(1, C))


def _bn_fin_body(p_ref, s_ref, g_ref, b_ref, o_ref):
    h = p_ref[0] + p_ref[1] + s_ref[...]
    m = jnp.mean(h, axis=0, keepdims=True)
    d = h - m
    v = jnp.mean(d * d, axis=0, keepdims=True)
    o_ref[...] = g_ref[...] * d / jnp.sqrt(v + EPS) + b_ref[...]


def _bn_fin(p, skip, g, b):
    return pl.pallas_call(
        _bn_fin_body,
        out_shape=jax.ShapeDtypeStruct((N, C), jnp.float32),
    )(p, skip, g.reshape(1, C), b.reshape(1, C))


def _pad_idx(a, fill):
    return jnp.concatenate(
        [a, jnp.full((EP - E,), fill, jnp.int32)]).reshape(NT, NCHUNK, CHUNK)


def kernel(x, skip, edge_index, kid_trans, kid_up, kid1, kid2, kid3,
           W_trans, W_up, W1, W2, W3,
           g_tbn, b_tbn, g1, b1, g2, b2, g3, b3):
    src3d = _pad_idx(edge_index[0], 0)
    dst3d = _pad_idx(edge_index[1], N)
    kidt3d = _pad_idx(kid_trans, 0)
    kidu3d = _pad_idx(kid_up, 0)
    zeros = jnp.zeros((NPAD, C), jnp.float32)

    y1 = _mm(x, W_trans).reshape(K * N, C)
    p1 = _sc_segsum(y1, src3d, kidt3d, dst3d, zeros)
    h = _bn_mid(p1[:, :N], g_tbn, b_tbn)

    y2 = _mm(h, W_up).reshape(K * N, C)
    p2 = _sc_segsum(y2, src3d, kidu3d, dst3d, zeros)
    return _bn_fin(p2[:, :N], skip, g3, b3)

# --- scband reference (transcript-rebuilt; emitter-appended) ---
"""Pipeline reference for scband-up-block-11974368821430 (READ-ONLY COPY).

The authoritative reference and input builder live on the scoring server;
editing this copy changes nothing except your own understanding.
"""

import jax, jax.numpy as jnp
import numpy as np

N = 10000
E = 160000
C_IN = 128
C_OUT = 128
EPS = 1e-5
SLOPE = 0.01


def _subm_conv(feat, W, edge_index, kid):
    # spconv submanifold / inverse conv modeled as offset-labeled message passing:
    # each edge e carries a kernel-offset id kid[e]; message = feat[src] @ W[kid],
    # computed efficiently as a dense per-node per-offset transform + gather.
    src = edge_index[0]
    dst = edge_index[1]
    y = jnp.einsum('nc,kco->nko', feat, W)
    msg = y[src, kid]
    return jax.ops.segment_sum(msg, dst, num_segments=feat.shape[0])


def _bn(h, g, b):
    # BatchNorm1d in training mode (batch statistics, biased variance), eps=1e-5
    m = jnp.mean(h, axis=0)
    v = jnp.var(h, axis=0)
    return g * (h - m) / jnp.sqrt(v + EPS) + b


def _lrelu(h):
    return jnp.where(h >= 0, h, SLOPE * h)


def setup_inputs(seed: int = 0):
    key = jax.random.key(seed)
    ks = jax.random.split(key, 16)
    x = jax.random.normal(ks[0], (N, C_IN), dtype=jnp.float32)
    skip = jax.random.normal(ks[1], (N, C_OUT), dtype=jnp.float32)
    edge_index = jax.random.randint(ks[2], (2, E), 0, N, dtype=jnp.int32)
    kid_trans = jax.random.randint(ks[3], (E,), 0, 27, dtype=jnp.int32)
    kid_up = jax.random.randint(ks[4], (E,), 0, 27, dtype=jnp.int32)
    kid1 = jax.random.randint(ks[5], (E,), 0, 9, dtype=jnp.int32)
    kid2 = jax.random.randint(ks[6], (E,), 0, 9, dtype=jnp.int32)
    kid3 = jax.random.randint(ks[7], (E,), 0, 27, dtype=jnp.int32)
    W_trans = jax.random.normal(ks[8], (27, C_IN, C_OUT), dtype=jnp.float32) / np.sqrt(27 * C_IN)
    W_up = jax.random.normal(ks[9], (27, C_OUT, C_OUT), dtype=jnp.float32) / np.sqrt(27 * C_OUT)
    W1 = jax.random.normal(ks[10], (9, C_OUT, C_OUT), dtype=jnp.float32) / np.sqrt(9 * C_OUT)
    W2 = jax.random.normal(ks[11], (9, C_OUT, C_OUT), dtype=jnp.float32) / np.sqrt(9 * C_OUT)
    W3 = jax.random.normal(ks[12], (27, C_OUT, C_OUT), dtype=jnp.float32) / np.sqrt(27 * C_OUT)
    ones = jnp.ones((C_OUT,), dtype=jnp.float32)
    zeros = jnp.zeros((C_OUT,), dtype=jnp.float32)
    return {
        'x': x, 'skip': skip, 'edge_index': edge_index,
        'kid_trans': kid_trans, 'kid_up': kid_up, 'kid1': kid1, 'kid2': kid2, 'kid3': kid3,
        'W_trans': W_trans, 'W_up': W_up, 'W1': W1, 'W2': W2, 'W3': W3,
        'g_tbn': ones, 'b_tbn': zeros,
        'g1': ones, 'b1': zeros, 'g2': ones, 'b2': zeros, 'g3': ones, 'b3': zeros,
    }


def reference(x, skip, edge_index, kid_trans, kid_up, kid1, kid2, kid3,
              W_trans, W_up, W1, W2, W3,
              g_tbn, b_tbn, g1, b1, g2, b2, g3, b3):
    # trans_dilao (3x3x3 SubMConv3d) -> LeakyReLU -> BatchNorm1d
    upA = _subm_conv(x, W_trans, edge_index, kid_trans)
    upA = _lrelu(upA)
    upA = _bn(upA, g_tbn, b_tbn)
    # up_subm (SparseInverseConv3d 3x3x3), then residual add with skip features
    upA = _subm_conv(upA, W_up, edge_index, kid_up)
    upA = upA + skip
    # NOTE: the original forward overwrites upE with functions of upA.features each
    # time, so conv1/conv2/conv3 outputs are dead. Reproduced faithfully below.
    upE = _subm_conv(upA, W1, edge_index, kid1)
    upE = _lrelu(upA)
    upE = _bn(upA, g1, b1)
    upE = _subm_conv(upE, W2, edge_index, kid2)
    upE = _lrelu(upA)
    upE = _bn(upA, g2, b2)
    upE = _subm_conv(upE, W3, edge_index, kid3)
    upE = _lrelu(upA)
    upE = _bn(upA, g3, b3)
    return upE

if __name__ == "__main__":
    import jax
    _d = setup_inputs()
    print(jax.jit(kernel)(*tuple(_d.values())))

</pallas_src>

<mosaic_0001>
#map = affine_map<(d0, d1) -> (0, 0)>
#map1 = affine_map<(d0, d1) -> (0, 0, 0)>
module attributes {stable_mosaic.version = 14 : i64} {
  func.func @_sc_body(%arg0: i32, %arg1: i32, %arg2: memref<270000x128xf32, #tpu.memory_space<hbm>>, %arg3: memref<32x40x128xi32, #tpu.memory_space<hbm>>, %arg4: memref<32x40x128xi32, #tpu.memory_space<hbm>>, %arg5: memref<32x40x128xi32, #tpu.memory_space<hbm>>, %arg6: memref<10240x128xf32, #tpu.memory_space<hbm>>, %arg7: memref<2x10240x128xf32, #tpu.memory_space<hbm>>, %arg8: memref<40x128xi32, #tpu.memory_space<vmem>>, %arg9: memref<40x128xi32, #tpu.memory_space<vmem>>, %arg10: memref<40x128xi32, #tpu.memory_space<vmem>>, %arg11: memref<2x128x128xf32, #tpu.memory_space<vmem>>, %arg12: memref<10240x128xf32, #tpu.memory_space<vmem_shared>>, %arg13: memref<!tpu.dma_semaphore, #tpu.memory_space<semaphore_mem>>) attributes {dimension_semantics = [#tpu.dimension_semantics<core_parallel>, #tpu.dimension_semantics<subcore_parallel>], iteration_bounds = array<i64: 2, 16>, scalar_prefetch = 0 : i64, scratch_operands = 6 : i64, tpu.core_type = #tpu.core_type<sc_vector_subcore>, window_params = [{transform_indices = #map}, {transform_indices = #map1}, {transform_indices = #map1}, {transform_indices = #map1}, {transform_indices = #map}, {transform_indices = #map1}]} {
    %mul3A = arith.constant 16 : i32
    %mul3A_0 = arith.muli %arg0, %mul3A : i32
    %add3A = arith.addi %mul3A_0, %arg1 : i32
    "tpu.region"() ({
      %run_scoped3A = tpu.sem_alloc : memref<!tpu.dma_semaphore, #tpu.memory_space<semaphore_mem>>
      %dma_start3A_38 = arith.constant 0 : i32
      %dma_start3A_39 = arith.constant 0 : i32
      %dma_start3A_40 = tpu.memref_slice %arg3[%add3A, %dma_start3A_38, %dma_start3A_39] : memref<32x40x128xi32, #tpu.memory_space<hbm>> -> memref<1x40x128xi32, #tpu.memory_space<hbm>>
      %dma_start3A_41 = tpu.memref_squeeze %dma_start3A_40 : memref<1x40x128xi32, #tpu.memory_space<hbm>> -> memref<40x128xi32, #tpu.memory_space<hbm>>
      %dma_start3A_42 = arith.constant 0 : i32
      %dma_start3A_43 = arith.constant 0 : i32
      %dma_start3A_44 = tpu.memref_slice %arg3[%add3A, %dma_start3A_42, %dma_start3A_43] : memref<32x40x128xi32, #tpu.memory_space<hbm>> -> memref<1x40x128xi32, #tpu.memory_space<hbm>>
      %dma_start3A_45 = tpu.memref_squeeze %dma_start3A_44 : memref<1x40x128xi32, #tpu.memory_space<hbm>> -> memref<40x128xi32, #tpu.memory_space<hbm>>
      tpu.enqueue_dma source(%dma_start3A_45 : memref<40x128xi32, #tpu.memory_space<hbm>>) target(%arg8 : memref<40x128xi32, #tpu.memory_space<vmem>>) target_semaphore(%run_scoped3A : memref<!tpu.dma_semaphore, #tpu.memory_space<semaphore_mem>>)
      %dma_wait3A = arith.constant 0 : i32
      %dma_wait3A_46 = arith.constant 0 : i32
      %dma_wait3A_47 = tpu.memref_slice %arg3[%add3A, %dma_wait3A, %dma_wait3A_46] : memref<32x40x128xi32, #tpu.memory_space<hbm>> -> memref<1x40x128xi32, #tpu.memory_space<hbm>>
      %dma_wait3A_48 = tpu.memref_squeeze %dma_wait3A_47 : memref<1x40x128xi32, #tpu.memory_space<hbm>> -> memref<40x128xi32, #tpu.memory_space<hbm>>
      %dma_wait3A_49 = arith.constant 0 : i32
      %dma_wait3A_50 = arith.constant 0 : i32
      %dma_wait3A_51 = tpu.memref_slice %arg3[%add3A, %dma_wait3A_49, %dma_wait3A_50] : memref<32x40x128xi32, #tpu.memory_space<hbm>> -> memref<1x40x128xi32, #tpu.memory_space<hbm>>
      %dma_wait3A_52 = tpu.memref_squeeze %dma_wait3A_51 : memref<1x40x128xi32, #tpu.memory_space<hbm>> -> memref<40x128xi32, #tpu.memory_space<hbm>>
      tpu.wait_dma2 semaphore(%run_scoped3A : memref<!tpu.dma_semaphore, #tpu.memory_space<semaphore_mem>>) src(%dma_wait3A_52 : memref<40x128xi32, #tpu.memory_space<hbm>>) dst(%arg8 : memref<40x128xi32, #tpu.memory_space<vmem>>)
      tpu.yield
    }) : () -> ()
    "tpu.region"() ({
      %run_scoped3A = tpu.sem_alloc : memref<!tpu.dma_semaphore, #tpu.memory_space<semaphore_mem>>
      %dma_start3A_38 = arith.constant 0 : i32
      %dma_start3A_39 = arith.constant 0 : i32
      %dma_start3A_40 = tpu.memref_slice %arg4[%add3A, %dma_start3A_38, %dma_start3A_39] : memref<32x40x128xi32, #tpu.memory_space<hbm>> -> memref<1x40x128xi32, #tpu.memory_space<hbm>>
      %dma_start3A_41 = tpu.memref_squeeze %dma_start3A_40 : memref<1x40x128xi32, #tpu.memory_space<hbm>> -> memref<40x128xi32, #tpu.memory_space<hbm>>
      %dma_start3A_42 = arith.constant 0 : i32
      %dma_start3A_43 = arith.constant 0 : i32
      %dma_start3A_44 = tpu.memref_slice %arg4[%add3A, %dma_start3A_42, %dma_start3A_43] : memref<32x40x128xi32, #tpu.memory_space<hbm>> -> memref<1x40x128xi32, #tpu.memory_space<hbm>>
      %dma_start3A_45 = tpu.memref_squeeze %dma_start3A_44 : memref<1x40x128xi32, #tpu.memory_space<hbm>> -> memref<40x128xi32, #tpu.memory_space<hbm>>
      tpu.enqueue_dma source(%dma_start3A_45 : memref<40x128xi32, #tpu.memory_space<hbm>>) target(%arg9 : memref<40x128xi32, #tpu.memory_space<vmem>>) target_semaphore(%run_scoped3A : memref<!tpu.dma_semaphore, #tpu.memory_space<semaphore_mem>>)
      %dma_wait3A = arith.constant 0 : i32
      %dma_wait3A_46 = arith.constant 0 : i32
      %dma_wait3A_47 = tpu.memref_slice %arg4[%add3A, %dma_wait3A, %dma_wait3A_46] : memref<32x40x128xi32, #tpu.memory_space<hbm>> -> memref<1x40x128xi32, #tpu.memory_space<hbm>>
      %dma_wait3A_48 = tpu.memref_squeeze %dma_wait3A_47 : memref<1x40x128xi32, #tpu.memory_space<hbm>> -> memref<40x128xi32, #tpu.memory_space<hbm>>
      %dma_wait3A_49 = arith.constant 0 : i32
      %dma_wait3A_50 = arith.constant 0 : i32
      %dma_wait3A_51 = tpu.memref_slice %arg4[%add3A, %dma_wait3A_49, %dma_wait3A_50] : memref<32x40x128xi32, #tpu.memory_space<hbm>> -> memref<1x40x128xi32, #tpu.memory_space<hbm>>
      %dma_wait3A_52 = tpu.memref_squeeze %dma_wait3A_51 : memref<1x40x128xi32, #tpu.memory_space<hbm>> -> memref<40x128xi32, #tpu.memory_space<hbm>>
      tpu.wait_dma2 semaphore(%run_scoped3A : memref<!tpu.dma_semaphore, #tpu.memory_space<semaphore_mem>>) src(%dma_wait3A_52 : memref<40x128xi32, #tpu.memory_space<hbm>>) dst(%arg9 : memref<40x128xi32, #tpu.memory_space<vmem>>)
      tpu.yield
    }) : () -> ()
    "tpu.region"() ({
      %run_scoped3A = tpu.sem_alloc : memref<!tpu.dma_semaphore, #tpu.memory_space<semaphore_mem>>
      %dma_start3A_38 = arith.constant 0 : i32
      %dma_start3A_39 = arith.constant 0 : i32
      %dma_start3A_40 = tpu.memref_slice %arg5[%add3A, %dma_start3A_38, %dma_start3A_39] : memref<32x40x128xi32, #tpu.memory_space<hbm>> -> memref<1x40x128xi32, #tpu.memory_space<hbm>>
      %dma_start3A_41 = tpu.memref_squeeze %dma_start3A_40 : memref<1x40x128xi32, #tpu.memory_space<hbm>> -> memref<40x128xi32, #tpu.memory_space<hbm>>
      %dma_start3A_42 = arith.constant 0 : i32
      %dma_start3A_43 = arith.constant 0 : i32
      %dma_start3A_44 = tpu.memref_slice %arg5[%add3A, %dma_start3A_42, %dma_start3A_43] : memref<32x40x128xi32, #tpu.memory_space<hbm>> -> memref<1x40x128xi32, #tpu.memory_space<hbm>>
      %dma_start3A_45 = tpu.memref_squeeze %dma_start3A_44 : memref<1x40x128xi32, #tpu.memory_space<hbm>> -> memref<40x128xi32, #tpu.memory_space<hbm>>
      tpu.enqueue_dma source(%dma_start3A_45 : memref<40x128xi32, #tpu.memory_space<hbm>>) target(%arg10 : memref<40x128xi32, #tpu.memory_space<vmem>>) target_semaphore(%run_scoped3A : memref<!tpu.dma_semaphore, #tpu.memory_space<semaphore_mem>>)
      %dma_wait3A = arith.constant 0 : i32
      %dma_wait3A_46 = arith.constant 0 : i32
      %dma_wait3A_47 = tpu.memref_slice %arg5[%add3A, %dma_wait3A, %dma_wait3A_46] : memref<32x40x128xi32, #tpu.memory_space<hbm>> -> memref<1x40x128xi32, #tpu.memory_space<hbm>>
      %dma_wait3A_48 = tpu.memref_squeeze %dma_wait3A_47 : memref<1x40x128xi32, #tpu.memory_space<hbm>> -> memref<40x128xi32, #tpu.memory_space<hbm>>
      %dma_wait3A_49 = arith.constant 0 : i32
      %dma_wait3A_50 = arith.constant 0 : i32
      %dma_wait3A_51 = tpu.memref_slice %arg5[%add3A, %dma_wait3A_49, %dma_wait3A_50] : memref<32x40x128xi32, #tpu.memory_space<hbm>> -> memref<1x40x128xi32, #tpu.memory_space<hbm>>
      %dma_wait3A_52 = tpu.memref_squeeze %dma_wait3A_51 : memref<1x40x128xi32, #tpu.memory_space<hbm>> -> memref<40x128xi32, #tpu.memory_space<hbm>>
      tpu.wait_dma2 semaphore(%run_scoped3A : memref<!tpu.dma_semaphore, #tpu.memory_space<semaphore_mem>>) src(%dma_wait3A_52 : memref<40x128xi32, #tpu.memory_space<hbm>>) dst(%arg10 : memref<40x128xi32, #tpu.memory_space<vmem>>)
      tpu.yield
    }) : () -> ()
    %mul3A_1 = arith.constant 640 : i32
    %mul3A_2 = arith.muli %arg1, %mul3A_1 : i32
    "tpu.region"() ({
      %run_scoped3A = tpu.sem_alloc : memref<!tpu.dma_semaphore, #tpu.memory_space<semaphore_mem>>
      %dma_start3A_38 = arith.constant 0 : i32
      %dma_start3A_39 = tpu.memref_slice %arg12[%mul3A_2, %dma_start3A_38] : memref<10240x128xf32, #tpu.memory_space<vmem_shared>> -> memref<640x128xf32, #tpu.memory_space<vmem_shared>>
      %dma_start3A_40 = arith.constant 0 : i32
      %dma_start3A_41 = tpu.memref_slice %arg6[%mul3A_2, %dma_start3A_40] : memref<10240x128xf32, #tpu.memory_space<hbm>> -> memref<640x128xf32, #tpu.memory_space<hbm>>
      tpu.enqueue_dma source(%dma_start3A_41 : memref<640x128xf32, #tpu.memory_space<hbm>>) target(%dma_start3A_39 : memref<640x128xf32, #tpu.memory_space<vmem_shared>>) target_semaphore(%run_scoped3A : memref<!tpu.dma_semaphore, #tpu.memory_space<semaphore_mem>>)
      %dma_wait3A = arith.constant 0 : i32
      %dma_wait3A_42 = tpu.memref_slice %arg12[%mul3A_2, %dma_wait3A] : memref<10240x128xf32, #tpu.memory_space<vmem_shared>> -> memref<640x128xf32, #tpu.memory_space<vmem_shared>>
      %dma_wait3A_43 = arith.constant 0 : i32
      %dma_wait3A_44 = tpu.memref_slice %arg6[%mul3A_2, %dma_wait3A_43] : memref<10240x128xf32, #tpu.memory_space<hbm>> -> memref<640x128xf32, #tpu.memory_space<hbm>>
      tpu.wait_dma2 semaphore(%run_scoped3A : memref<!tpu.dma_semaphore, #tpu.memory_space<semaphore_mem>>) src(%dma_wait3A_44 : memref<640x128xf32, #tpu.memory_space<hbm>>) dst(%dma_wait3A_42 : memref<640x128xf32, #tpu.memory_space<vmem_shared>>)
      tpu.yield
    }) : () -> ()
    %scan3A = arith.constant 0 : i32
    %scan3A_3 = arith.constant 0 : i32
    %scan3A_4 = arith.constant 40 : i32
    %scan3A_5 = arith.addi %scan3A_3, %scan3A_4 : i32
    %scan3A_6 = arith.constant 1 : i32
    scf.for %scan3A_38 = %scan3A_3 to %scan3A_5 step %scan3A_6  : i32 {
      %get3A = arith.index_cast %scan3A_38 : i32 to index
      %get3A_39 = arith.constant 0 : index
      %get3A_40 = tpu.vector_load %arg9[%get3A, %get3A_39] {strides = array<i32>} : memref<40x128xi32, #tpu.memory_space<vmem>>, vector<1x16xi32>,
      %get3A_41 = vector.shape_cast %get3A_40 : vector<1x16xi32> to vector<16xi32>
      %mul3A_42 = arith.constant 10000 : i32
      %mul3A_43 = vector.broadcast %mul3A_42 : i32 to vector<16xi32>
      %mul3A_44 = arith.muli %get3A_41, %mul3A_43 : vector<16xi32>
      %get3A_45 = arith.index_cast %scan3A_38 : i32 to index
      %get3A_46 = arith.constant 0 : index
      %get3A_47 = tpu.vector_load %arg8[%get3A_45, %get3A_46] {strides = array<i32>} : memref<40x128xi32, #tpu.memory_space<vmem>>, vector<1x16xi32>,
      %get3A_48 = vector.shape_cast %get3A_47 : vector<1x16xi32> to vector<16xi32>
      %add3A_49 = arith.addi %mul3A_44, %get3A_48 : vector<16xi32>
      %swap3A = arith.index_cast %scan3A_38 : i32 to index
      %swap3A_50 = arith.constant 0 : index
      %swap3A_51 = tpu.vector_load %arg8[%swap3A, %swap3A_50] {strides = array<i32>} : memref<40x128xi32, #tpu.memory_space<vmem>>, vector<1x16xi32>,
      %swap3A_52 = vector.shape_cast %swap3A_51 : vector<1x16xi32> to vector<16xi32>
      %swap3A_53 = vector.shape_cast %add3A_49 : vector<16xi32> to vector<1x16xi32>
      tpu.vector_store %arg8[%swap3A, %swap3A_50], %swap3A_53 {strides = array<i32>} : memref<40x128xi32, #tpu.memory_space<vmem>>, vector<1x16xi32>,
      %get3A_54 = arith.index_cast %scan3A_38 : i32 to index
      %get3A_55 = arith.constant 16 : index
      %get3A_56 = tpu.vector_load %arg9[%get3A_54, %get3A_55] {strides = array<i32>} : memref<40x128xi32, #tpu.memory_space<vmem>>, vector<1x16xi32>,
      %get3A_57 = vector.shape_cast %get3A_56 : vector<1x16xi32> to vector<16xi32>
      %mul3A_58 = arith.constant 10000 : i32
      %mul3A_59 = vector.broadcast %mul3A_58 : i32 to vector<16xi32>
      %mul3A_60 = arith.muli %get3A_57, %mul3A_59 : vector<16xi32>
      %get3A_61 = arith.index_cast %scan3A_38 : i32 to index
      %get3A_62 = arith.constant 16 : index
      %get3A_63 = tpu.vector_load %arg8[%get3A_61, %get3A_62] {strides = array<i32>} : memref<40x128xi32, #tpu.memory_space<vmem>>, vector<1x16xi32>,
      %get3A_64 = vector.shape_cast %get3A_63 : vector<1x16xi32> to vector<16xi32>
      %add3A_65 = arith.addi %mul3A_60, %get3A_64 : vector<16xi32>
      %swap3A_66 = arith.index_cast %scan3A_38 : i32 to index
      %swap3A_67 = arith.constant 16 : index
      %swap3A_68 = tpu.vector_load %arg8[%swap3A_66, %swap3A_67] {strides = array<i32>} : memref<40x128xi32, #tpu.memory_space<vmem>>, vector<1x16xi32>,
      %swap3A_69 = vector.shape_cast %swap3A_68 : vector<1x16xi32> to vector<16xi32>
      %swap3A_70 = vector.shape_cast %add3A_65 : vector<16xi32> to vector<1x16xi32>
      tpu.vector_store %arg8[%swap3A_66, %swap3A_67], %swap3A_70 {strides = array<i32>} : memref<40x128xi32, #tpu.memory_space<vmem>>, vector<1x16xi32>,
      %get3A_71 = arith.index_cast %scan3A_38 : i32 to index
      %get3A_72 = arith.constant 32 : index
      %get3A_73 = tpu.vector_load %arg9[%get3A_71, %get3A_72] {strides = array<i32>} : memref<40x128xi32, #tpu.memory_space<vmem>>, vector<1x16xi32>,
      %get3A_74 = vector.shape_cast %get3A_73 : vector<1x16xi32> to vector<16xi32>
      %mul3A_75 = arith.constant 10000 : i32
      %mul3A_76 = vector.broadcast %mul3A_75 : i32 to vector<16xi32>
      %mul3A_77 = arith.muli %get3A_74, %mul3A_76 : vector<16xi32>
      %get3A_78 = arith.index_cast %scan3A_38 : i32 to index
      %get3A_79 = arith.constant 32 : index
      %get3A_80 = tpu.vector_load %arg8[%get3A_78, %get3A_79] {strides = array<i32>} : memref<40x128xi32, #tpu.memory_space<vmem>>, vector<1x16xi32>,
      %get3A_81 = vector.shape_cast %get3A_80 : vector<1x16xi32> to vector<16xi32>
      %add3A_82 = arith.addi %mul3A_77, %get3A_81 : vector<16xi32>
      %swap3A_83 = arith.index_cast %scan3A_38 : i32 to index
      %swap3A_84 = arith.constant 32 : index
      %swap3A_85 = tpu.vector_load %arg8[%swap3A_83, %swap3A_84] {strides = array<i32>} : memref<40x128xi32, #tpu.memory_space<vmem>>, vector<1x16xi32>,
      %swap3A_86 = vector.shape_cast %swap3A_85 : vector<1x16xi32> to vector<16xi32>
      %swap3A_87 = vector.shape_cast %add3A_82 : vector<16xi32> to vector<1x16xi32>
      tpu.vector_store %arg8[%swap3A_83, %swap3A_84], %swap3A_87 {strides = array<i32>} : memref<40x128xi32, #tpu.memory_space<vmem>>, vector<1x16xi32>,
      %get3A_88 = arith.index_cast %scan3A_38 : i32 to index
      %get3A_89 = arith.constant 48 : index
      %get3A_90 = tpu.vector_load %arg9[%get3A_88, %get3A_89] {strides = array<i32>} : memref<40x128xi32, #tpu.memory_space<vmem>>, vector<1x16xi32>,
      %get3A_91 = vector.shape_cast %get3A_90 : vector<1x16xi32> to vector<16xi32>
      %mul3A_92 = arith.constant 10000 : i32
      %mul3A_93 = vector.broadcast %mul3A_92 : i32 to vector<16xi32>
      %mul3A_94 = arith.muli %get3A_91, %mul3A_93 : vector<16xi32>
      %get3A_95 = arith.index_cast %scan3A_38 : i32 to index
      %get3A_96 = arith.constant 48 : index
      %get3A_97 = tpu.vector_load %arg8[%get3A_95, %get3A_96] {strides = array<i32>} : memref<40x128xi32, #tpu.memory_space<vmem>>, vector<1x16xi32>,
      %get3A_98 = vector.shape_cast %get3A_97 : vector<1x16xi32> to vector<16xi32>
      %add3A_99 = arith.addi %mul3A_94, %get3A_98 : vector<16xi32>
      %swap3A_100 = arith.index_cast %scan3A_38 : i32 to index
      %swap3A_101 = arith.constant 48 : index
      %swap3A_102 = tpu.vector_load %arg8[%swap3A_100, %swap3A_101] {strides = array<i32>} : memref<40x128xi32, #tpu.memory_space<vmem>>, vector<1x16xi32>,
      %swap3A_103 = vector.shape_cast %swap3A_102 : vector<1x16xi32> to vector<16xi32>
      %swap3A_104 = vector.shape_cast %add3A_99 : vector<16xi32> to vector<1x16xi32>
      tpu.vector_store %arg8[%swap3A_100, %swap3A_101], %swap3A_104 {strides = array<i32>} : memref<40x128xi32, #tpu.memory_space<vmem>>, vector<1x16xi32>,
      %get3A_105 = arith.index_cast %scan3A_38 : i32 to index
      %get3A_106 = arith.constant 64 : index
      %get3A_107 = tpu.vector_load %arg9[%get3A_105, %get3A_106] {strides = array<i32>} : memref<40x128xi32, #tpu.memory_space<vmem>>, vector<1x16xi32>,
      %get3A_108 = vector.shape_cast %get3A_107 : vector<1x16xi32> to vector<16xi32>
      %mul3A_109 = arith.constant 10000 : i32
      %mul3A_110 = vector.broadcast %mul3A_109 : i32 to vector<16xi32>
      %mul3A_111 = arith.muli %get3A_108, %mul3A_110 : vector<16xi32>
      %get3A_112 = arith.index_cast %scan3A_38 : i32 to index
      %get3A_113 = arith.constant 64 : index
      %get3A_114 = tpu.vector_load %arg8[%get3A_112, %get3A_113] {strides = array<i32>} : memref<40x128xi32, #tpu.memory_space<vmem>>, vector<1x16xi32>,
      %get3A_115 = vector.shape_cast %get3A_114 : vector<1x16xi32> to vector<16xi32>
      %add3A_116 = arith.addi %mul3A_111, %get3A_115 : vector<16xi32>
      %swap3A_117 = arith.index_cast %scan3A_38 : i32 to index
      %swap3A_118 = arith.constant 64 : index
      %swap3A_119 = tpu.vector_load %arg8[%swap3A_117, %swap3A_118] {strides = array<i32>} : memref<40x128xi32, #tpu.memory_space<vmem>>, vector<1x16xi32>,
      %swap3A_120 = vector.shape_cast %swap3A_119 : vector<1x16xi32> to vector<16xi32>
      %swap3A_121 = vector.shape_cast %add3A_116 : vector<16xi32> to vector<1x16xi32>
      tpu.vector_store %arg8[%swap3A_117, %swap3A_118], %swap3A_121 {strides = array<i32>} : memref<40x128xi32, #tpu.memory_space<vmem>>, vector<1x16xi32>,
      %get3A_122 = arith.index_cast %scan3A_38 : i32 to index
      %get3A_123 = arith.constant 80 : index
      %get3A_124 = tpu.vector_load %arg9[%get3A_122, %get3A_123] {strides = array<i32>} : memref<40x128xi32, #tpu.memory_space<vmem>>, vector<1x16xi32>,
      %get3A_125 = vector.shape_cast %get3A_124 : vector<1x16xi32> to vector<16xi32>
      %mul3A_126 = arith.constant 10000 : i32
      %mul3A_127 = vector.broadcast %mul3A_126 : i32 to vector<16xi32>
      %mul3A_128 = arith.muli %get3A_125, %mul3A_127 : vector<16xi32>
      %get3A_129 = arith.index_cast %scan3A_38 : i32 to index
      %get3A_130 = arith.constant 80 : index
      %get3A_131 = tpu.vector_load %arg8[%get3A_129, %get3A_130] {strides = array<i32>} : memref<40x128xi32, #tpu.memory_space<vmem>>, vector<1x16xi32>,
      %get3A_132 = vector.shape_cast %get3A_131 : vector<1x16xi32> to vector<16xi32>
      %add3A_133 = arith.addi %mul3A_128, %get3A_132 : vector<16xi32>
      %swap3A_134 = arith.index_cast %scan3A_38 : i32 to index
      %swap3A_135 = arith.constant 80 : index
      %swap3A_136 = tpu.vector_load %arg8[%swap3A_134, %swap3A_135] {strides = array<i32>} : memref<40x128xi32, #tpu.memory_space<vmem>>, vector<1x16xi32>,
      %swap3A_137 = vector.shape_cast %swap3A_136 : vector<1x16xi32> to vector<16xi32>
      %swap3A_138 = vector.shape_cast %add3A_133 : vector<16xi32> to vector<1x16xi32>
      tpu.vector_store %arg8[%swap3A_134, %swap3A_135], %swap3A_138 {strides = array<i32>} : memref<40x128xi32, #tpu.memory_space<vmem>>, vector<1x16xi32>,
      %get3A_139 = arith.index_cast %scan3A_38 : i32 to index
      %get3A_140 = arith.constant 96 : index
      %get3A_141 = tpu.vector_load %arg9[%get3A_139, %get3A_140] {strides = array<i32>} : memref<40x128xi32, #tpu.memory_space<vmem>>, vector<1x16xi32>,
      %get3A_142 = vector.shape_cast %get3A_141 : vector<1x16xi32> to vector<16xi32>
      %mul3A_143 = arith.constant 10000 : i32
      %mul3A_144 = vector.broadcast %mul3A_143 : i32 to vector<16xi32>
      %mul3A_145 = arith.muli %get3A_142, %mul3A_144 : vector<16xi32>
      %get3A_146 = arith.index_cast %scan3A_38 : i32 to index
      %get3A_147 = arith.constant 96 : index
      %get3A_148 = tpu.vector_load %arg8[%get3A_146, %get3A_147] {strides = array<i32>} : memref<40x128xi32, #tpu.memory_space<vmem>>, vector<1x16xi32>,
      %get3A_149 = vector.shape_cast %get3A_148 : vector<1x16xi32> to vector<16xi32>
      %add3A_150 = arith.addi %mul3A_145, %get3A_149 : vector<16xi32>
      %swap3A_151 = arith.index_cast %scan3A_38 : i32 to index
      %swap3A_152 = arith.constant 96 : index
      %swap3A_153 = tpu.vector_load %arg8[%swap3A_151, %swap3A_152] {strides = array<i32>} : memref<40x128xi32, #tpu.memory_space<vmem>>, vector<1x16xi32>,
      %swap3A_154 = vector.shape_cast %swap3A_153 : vector<1x16xi32> to vector<16xi32>
      %swap3A_155 = vector.shape_cast %add3A_150 : vector<16xi32> to vector<1x16xi32>
      tpu.vector_store %arg8[%swap3A_151, %swap3A_152], %swap3A_155 {strides = array<i32>} : memref<40x128xi32, #tpu.memory_space<vmem>>, vector<1x16xi32>,
      %get3A_156 = arith.index_cast %scan3A_38 : i32 to index
      %get3A_157 = arith.constant 112 : index
      %get3A_158 = tpu.vector_load %arg9[%get3A_156, %get3A_157] {strides = array<i32>} : memref<40x128xi32, #tpu.memory_space<vmem>>, vector<1x16xi32>,
      %get3A_159 = vector.shape_cast %get3A_158 : vector<1x16xi32> to vector<16xi32>
      %mul3A_160 = arith.constant 10000 : i32
      %mul3A_161 = vector.broadcast %mul3A_160 : i32 to vector<16xi32>
      %mul3A_162 = arith.muli %get3A_159, %mul3A_161 : vector<16xi32>
      %get3A_163 = arith.index_cast %scan3A_38 : i32 to index
      %get3A_164 = arith.constant 112 : index
      %get3A_165 = tpu.vector_load %arg8[%get3A_163, %get3A_164] {strides = array<i32>} : memref<40x128xi32, #tpu.memory_space<vmem>>, vector<1x16xi32>,
      %get3A_166 = vector.shape_cast %get3A_165 : vector<1x16xi32> to vector<16xi32>
      %add3A_167 = arith.addi %mul3A_162, %get3A_166 : vector<16xi32>
      %swap3A_168 = arith.index_cast %scan3A_38 : i32 to index
      %swap3A_169 = arith.constant 112 : index
      %swap3A_170 = tpu.vector_load %arg8[%swap3A_168, %swap3A_169] {strides = array<i32>} : memref<40x128xi32, #tpu.memory_space<vmem>>, vector<1x16xi32>,
      %swap3A_171 = vector.shape_cast %swap3A_170 : vector<1x16xi32> to vector<16xi32>
      %swap3A_172 = vector.shape_cast %add3A_167 : vector<16xi32> to vector<1x16xi32>
      tpu.vector_store %arg8[%swap3A_168, %swap3A_169], %swap3A_172 {strides = array<i32>} : memref<40x128xi32, #tpu.memory_space<vmem>>, vector<1x16xi32>,
    }
    %scan3A_7 = arith.constant 40 : i32
    %barrier3A = arith.constant 0 : index
    tpu.barrier barrier_id(%barrier3A)
    %dma_start3A = arith.constant 0 : i32
    %dma_start3A_8 = arith.constant 0 : i32
    %dma_start3A_9 = arith.constant 0 : i32
    %dma_start3A_10 = arith.constant 0 : i32
    %dma_start3A_11 = tpu.memref_slice %arg11[%dma_start3A_8, %dma_start3A_9, %dma_start3A_10] : memref<2x128x128xf32, #tpu.memory_space<vmem>> -> memref<1x128x128xf32, #tpu.memory_space<vmem>>
    %dma_start3A_12 = tpu.memref_squeeze %dma_start3A_11 : memref<1x128x128xf32, #tpu.memory_space<vmem>> -> memref<128x128xf32, #tpu.memory_space<vmem>>
    %dma_start3A_13 = arith.constant 0 : i32
    %dma_start3A_14 = tpu.memref_slice %arg8[%dma_start3A, %dma_start3A_13] : memref<40x128xi32, #tpu.memory_space<vmem>> -> memref<1x128xi32, #tpu.memory_space<vmem>>
    %dma_start3A_15 = tpu.memref_squeeze %dma_start3A_14 : memref<1x128xi32, #tpu.memory_space<vmem>> -> memref<128xi32, #tpu.memory_space<vmem>>
    %dma_start3A_16 = arith.constant 0 : i32
    %dma_start3A_17 = arith.constant 0 : i32
    %dma_start3A_18 = tpu.memref_slice %arg2[%dma_start3A_16, %dma_start3A_17] : memref<270000x128xf32, #tpu.memory_space<hbm>> -> memref<270000x128xf32, #tpu.memory_space<hbm>>
    tpu.enqueue_indirect_dma source(%dma_start3A_18 : memref<270000x128xf32, #tpu.memory_space<hbm>>) target(%dma_start3A_12 : memref<128x128xf32, #tpu.memory_space<vmem>>) offsets(%dma_start3A_15 : memref<128xi32, #tpu.memory_space<vmem>>) semaphore(%arg13 : memref<!tpu.dma_semaphore, #tpu.memory_space<semaphore_mem>>)
    %dma_start3A_19 = arith.constant 1 : i32
    %dma_start3A_20 = arith.constant 1 : i32
    %dma_start3A_21 = arith.constant 0 : i32
    %dma_start3A_22 = arith.constant 0 : i32
    %dma_start3A_23 = tpu.memref_slice %arg11[%dma_start3A_20, %dma_start3A_21, %dma_start3A_22] : memref<2x128x128xf32, #tpu.memory_space<vmem>> -> memref<1x128x128xf32, #tpu.memory_space<vmem>>
    %dma_start3A_24 = tpu.memref_squeeze %dma_start3A_23 : memref<1x128x128xf32, #tpu.memory_space<vmem>> -> memref<128x128xf32, #tpu.memory_space<vmem>>
    %dma_start3A_25 = arith.constant 0 : i32
    %dma_start3A_26 = tpu.memref_slice %arg8[%dma_start3A_19, %dma_start3A_25] : memref<40x128xi32, #tpu.memory_space<vmem>> -> memref<1x128xi32, #tpu.memory_space<vmem>>
    %dma_start3A_27 = tpu.memref_squeeze %dma_start3A_26 : memref<1x128xi32, #tpu.memory_space<vmem>> -> memref<128xi32, #tpu.memory_space<vmem>>
    %dma_start3A_28 = arith.constant 0 : i32
    %dma_start3A_29 = arith.constant 0 : i32
    %dma_start3A_30 = tpu.memref_slice %arg2[%dma_start3A_28, %dma_start3A_29] : memref<270000x128xf32, #tpu.memory_space<hbm>> -> memref<270000x128xf32, #tpu.memory_space<hbm>>
    tpu.enqueue_indirect_dma source(%dma_start3A_30 : memref<270000x128xf32, #tpu.memory_space<hbm>>) target(%dma_start3A_24 : memref<128x128xf32, #tpu.memory_space<vmem>>) offsets(%dma_start3A_27 : memref<128xi32, #tpu.memory_space<vmem>>) semaphore(%arg13 : memref<!tpu.dma_semaphore, #tpu.memory_space<semaphore_mem>>)
    %scan3A_31 = arith.constant 0 : i32
    %scan3A_32 = arith.constant 0 : i32
    %scan3A_33 = arith.constant 40 : i32
    %scan3A_34 = arith.addi %scan3A_32, %scan3A_33 : i32
    %scan3A_35 = arith.constant 1 : i32
    scf.for %scan3A_38 = %scan3A_32 to %scan3A_34 step %scan3A_35  : i32 {
      %rem3A = arith.constant 2 : i32
      %rem3A_39 = arith.remsi %scan3A_38, %rem3A : i32
      %dma_wait3A = arith.constant 0 : i32
      %dma_wait3A_40 = arith.constant 0 : i32
      %dma_wait3A_41 = tpu.memref_slice %arg11[%rem3A_39, %dma_wait3A, %dma_wait3A_40] : memref<2x128x128xf32, #tpu.memory_space<vmem>> -> memref<1x128x128xf32, #tpu.memory_space<vmem>>
      %dma_wait3A_42 = tpu.memref_squeeze %dma_wait3A_41 : memref<1x128x128xf32, #tpu.memory_space<vmem>> -> memref<128x128xf32, #tpu.memory_space<vmem>>
      %dma_wait3A_43 = arith.constant 0 : i32
      %dma_wait3A_44 = tpu.memref_slice %arg8[%scan3A_38, %dma_wait3A_43] : memref<40x128xi32, #tpu.memory_space<vmem>> -> memref<1x128xi32, #tpu.memory_space<vmem>>
      %dma_wait3A_45 = tpu.memref_squeeze %dma_wait3A_44 : memref<1x128xi32, #tpu.memory_space<vmem>> -> memref<128xi32, #tpu.memory_space<vmem>>
      %dma_wait3A_46 = arith.constant 0 : i32
      %dma_wait3A_47 = arith.constant 0 : i32
      %dma_wait3A_48 = tpu.memref_slice %arg2[%dma_wait3A_46, %dma_wait3A_47] : memref<270000x128xf32, #tpu.memory_space<hbm>> -> memref<270000x128xf32, #tpu.memory_space<hbm>>
      tpu.wait_indirect_dma semaphore(%arg13 : memref<!tpu.dma_semaphore, #tpu.memory_space<semaphore_mem>>) src(%dma_wait3A_48 : memref<270000x128xf32, #tpu.memory_space<hbm>>) dst(%dma_wait3A_42 : memref<128x128xf32, #tpu.memory_space<vmem>>)
      "tpu.region"() ({
        %run_scoped3A = tpu.sem_alloc : memref<!tpu.dma_semaphore, #tpu.memory_space<semaphore_mem>>
        %dma_start3A_51 = arith.constant 0 : i32
        %dma_start3A_52 = arith.constant 0 : i32
        %dma_start3A_53 = tpu.memref_slice %arg11[%rem3A_39, %dma_start3A_51, %dma_start3A_52] : memref<2x128x128xf32, #tpu.memory_space<vmem>> -> memref<1x128x128xf32, #tpu.memory_space<vmem>>
        %dma_start3A_54 = tpu.memref_squeeze %dma_start3A_53 : memref<1x128x128xf32, #tpu.memory_space<vmem>> -> memref<128x128xf32, #tpu.memory_space<vmem>>
        %dma_start3A_55 = arith.constant 0 : i32
        %dma_start3A_56 = tpu.memref_slice %arg10[%scan3A_38, %dma_start3A_55] : memref<40x128xi32, #tpu.memory_space<vmem>> -> memref<1x128xi32, #tpu.memory_space<vmem>>
        %dma_start3A_57 = tpu.memref_squeeze %dma_start3A_56 : memref<1x128xi32, #tpu.memory_space<vmem>> -> memref<128xi32, #tpu.memory_space<vmem>>
        %dma_start3A_58 = arith.constant 0 : i32
        %dma_start3A_59 = arith.constant 0 : i32
        %dma_start3A_60 = tpu.memref_slice %arg12[%dma_start3A_58, %dma_start3A_59] : memref<10240x128xf32, #tpu.memory_space<vmem_shared>> -> memref<10240x128xf32, #tpu.memory_space<vmem_shared>>
        tpu.enqueue_indirect_dma source(%dma_start3A_54 : memref<128x128xf32, #tpu.memory_space<vmem>>) target(%dma_start3A_60 : memref<10240x128xf32, #tpu.memory_space<vmem_shared>>) offsets(%dma_start3A_57 : memref<128xi32, #tpu.memory_space<vmem>>) semaphore(%run_scoped3A : memref<!tpu.dma_semaphore, #tpu.memory_space<semaphore_mem>>) {add = true}
        %dma_wait3A_61 = arith.constant 0 : i32
        %dma_wait3A_62 = arith.constant 0 : i32
        %dma_wait3A_63 = tpu.memref_slice %arg11[%rem3A_39, %dma_wait3A_61, %dma_wait3A_62] : memref<2x128x128xf32, #tpu.memory_space<vmem>> -> memref<1x128x128xf32, #tpu.memory_space<vmem>>
        %dma_wait3A_64 = tpu.memref_squeeze %dma_wait3A_63 : memref<1x128x128xf32, #tpu.memory_space<vmem>> -> memref<128x128xf32, #tpu.memory_space<vmem>>
        %dma_wait3A_65 = arith.constant 0 : i32
        %dma_wait3A_66 = tpu.memref_slice %arg10[%scan3A_38, %dma_wait3A_65] : memref<40x128xi32, #tpu.memory_space<vmem>> -> memref<1x128xi32, #tpu.memory_space<vmem>>
        %dma_wait3A_67 = tpu.memref_squeeze %dma_wait3A_66 : memref<1x128xi32, #tpu.memory_space<vmem>> -> memref<128xi32, #tpu.memory_space<vmem>>
        %dma_wait3A_68 = arith.constant 0 : i32
        %dma_wait3A_69 = arith.constant 0 : i32
        %dma_wait3A_70 = tpu.memref_slice %arg12[%dma_wait3A_68, %dma_wait3A_69] : memref<10240x128xf32, #tpu.memory_space<vmem_shared>> -> memref<10240x128xf32, #tpu.memory_space<vmem_shared>>
        tpu.wait_indirect_dma semaphore(%run_scoped3A : memref<!tpu.dma_semaphore, #tpu.memory_space<semaphore_mem>>) src(%dma_wait3A_64 : memref<128x128xf32, #tpu.memory_space<vmem>>) dst(%dma_wait3A_70 : memref<10240x128xf32, #tpu.memory_space<vmem_shared>>)
        tpu.yield
      }) : () -> ()
      %lt3A = arith.constant 38 : i32
      %lt3A_49 = arith.cmpi slt, %scan3A_38, %lt3A : i32
      %convert_element_type3A = arith.extui %lt3A_49 : i1 to i32
      %cond3A = arith.constant 0 : i32
      %cond3A_50 = arith.cmpi ne, %convert_element_type3A, %cond3A : i32
      scf.if %cond3A_50 {
        %add3A_51 = arith.constant 2 : i32
        %add3A_52 = arith.addi %scan3A_38, %add3A_51 : i32
        %dma_start3A_53 = arith.constant 0 : i32
        %dma_start3A_54 = arith.constant 0 : i32
        %dma_start3A_55 = tpu.memref_slice %arg11[%rem3A_39, %dma_start3A_53, %dma_start3A_54] : memref<2x128x128xf32, #tpu.memory_space<vmem>> -> memref<1x128x128xf32, #tpu.memory_space<vmem>>
        %dma_start3A_56 = tpu.memref_squeeze %dma_start3A_55 : memref<1x128x128xf32, #tpu.memory_space<vmem>> -> memref<128x128xf32, #tpu.memory_space<vmem>>
        %dma_start3A_57 = arith.constant 0 : i32
        %dma_start3A_58 = tpu.memref_slice %arg8[%add3A_52, %dma_start3A_57] : memref<40x128xi32, #tpu.memory_space<vmem>> -> memref<1x128xi32, #tpu.memory_space<vmem>>
        %dma_start3A_59 = tpu.memref_squeeze %dma_start3A_58 : memref<1x128xi32, #tpu.memory_space<vmem>> -> memref<128xi32, #tpu.memory_space<vmem>>
        %dma_start3A_60 = arith.constant 0 : i32
        %dma_start3A_61 = arith.constant 0 : i32
        %dma_start3A_62 = tpu.memref_slice %arg2[%dma_start3A_60, %dma_start3A_61] : memref<270000x128xf32, #tpu.memory_space<hbm>> -> memref<270000x128xf32, #tpu.memory_space<hbm>>
        tpu.enqueue_indirect_dma source(%dma_start3A_62 : memref<270000x128xf32, #tpu.memory_space<hbm>>) target(%dma_start3A_56 : memref<128x128xf32, #tpu.memory_space<vmem>>) offsets(%dma_start3A_59 : memref<128xi32, #tpu.memory_space<vmem>>) semaphore(%arg13 : memref<!tpu.dma_semaphore, #tpu.memory_space<semaphore_mem>>)
      } else {
      }
    }
    %scan3A_36 = arith.constant 40 : i32
    %barrier3A_37 = arith.constant 0 : index
    tpu.barrier barrier_id(%barrier3A_37)
    "tpu.region"() ({
      %run_scoped3A = tpu.sem_alloc : memref<!tpu.dma_semaphore, #tpu.memory_space<semaphore_mem>>
      %dma_start3A_38 = arith.constant 0 : i32
      %dma_start3A_39 = tpu.memref_slice %arg7[%arg0, %mul3A_2, %dma_start3A_38] : memref<2x10240x128xf32, #tpu.memory_space<hbm>> -> memref<1x640x128xf32, #tpu.memory_space<hbm>>
      %dma_start3A_40 = tpu.memref_squeeze %dma_start3A_39 : memref<1x640x128xf32, #tpu.memory_space<hbm>> -> memref<640x128xf32, #tpu.memory_space<hbm>>
      %dma_start3A_41 = arith.constant 0 : i32
      %dma_start3A_42 = tpu.memref_slice %arg12[%mul3A_2, %dma_start3A_41] : memref<10240x128xf32, #tpu.memory_space<vmem_shared>> -> memref<640x128xf32, #tpu.memory_space<vmem_shared>>
      tpu.enqueue_dma source(%dma_start3A_42 : memref<640x128xf32, #tpu.memory_space<vmem_shared>>) target(%dma_start3A_40 : memref<640x128xf32, #tpu.memory_space<hbm>>) target_semaphore(%run_scoped3A : memref<!tpu.dma_semaphore, #tpu.memory_space<semaphore_mem>>)
      %dma_wait3A = arith.constant 0 : i32
      %dma_wait3A_43 = tpu.memref_slice %arg7[%arg0, %mul3A_2, %dma_wait3A] : memref<2x10240x128xf32, #tpu.memory_space<hbm>> -> memref<1x640x128xf32, #tpu.memory_space<hbm>>
      %dma_wait3A_44 = tpu.memref_squeeze %dma_wait3A_43 : memref<1x640x128xf32, #tpu.memory_space<hbm>> -> memref<640x128xf32, #tpu.memory_space<hbm>>
      %dma_wait3A_45 = arith.constant 0 : i32
      %dma_wait3A_46 = tpu.memref_slice %arg12[%mul3A_2, %dma_wait3A_45] : memref<10240x128xf32, #tpu.memory_space<vmem_shared>> -> memref<640x128xf32, #tpu.memory_space<vmem_shared>>
      tpu.wait_dma2 semaphore(%run_scoped3A : memref<!tpu.dma_semaphore, #tpu.memory_space<semaphore_mem>>) src(%dma_wait3A_46 : memref<640x128xf32, #tpu.memory_space<vmem_shared>>) dst(%dma_wait3A_44 : memref<640x128xf32, #tpu.memory_space<hbm>>)
      tpu.yield
    }) : () -> ()
    return
  }
}

#map = affine_map<(d0, d1) -> (0, 0)>
#map1 = affine_map<(d0, d1) -> (0, 0, 0)>
module attributes {stable_mosaic.version = 14 : i64} {
  func.func @_sc_body(%arg0: i32, %arg1: i32, %arg2: memref<270000x128xf32, #tpu.memory_space<hbm>>, %arg3: memref<32x40x128xi32, #tpu.memory_space<hbm>>, %arg4: memref<32x40x128xi32, #tpu.memory_space<hbm>>, %arg5: memref<32x40x128xi32, #tpu.memory_space<hbm>>, %arg6: memref<10240x128xf32, #tpu.memory_space<hbm>>, %arg7: memref<2x10240x128xf32, #tpu.memory_space<hbm>>, %arg8: memref<40x128xi32, #tpu.memory_space<vmem>>, %arg9: memref<40x128xi32, #tpu.memory_space<vmem>>, %arg10: memref<40x128xi32, #tpu.memory_space<vmem>>, %arg11: memref<2x128x128xf32, #tpu.memory_space<vmem>>, %arg12: memref<10240x128xf32, #tpu.memory_space<vmem_shared>>, %arg13: memref<!tpu.dma_semaphore, #tpu.memory_space<semaphore_mem>>) attributes {dimension_semantics = [#tpu.dimension_semantics<core_parallel>, #tpu.dimension_semantics<subcore_parallel>], iteration_bounds = array<i64: 2, 16>, scalar_prefetch = 0 : i64, scratch_operands = 6 : i64, tpu.core_type = #tpu.core_type<sc_vector_subcore>, window_params = [{transform_indices = #map}, {transform_indices = #map1}, {transform_indices = #map1}, {transform_indices = #map1}, {transform_indices = #map}, {transform_indices = #map1}]} {
    %mul3A = arith.constant 16 : i32
    %mul3A_0 = arith.muli %arg0, %mul3A : i32
    %add3A = arith.addi %mul3A_0, %arg1 : i32
    "tpu.region"() ({
      %run_scoped3A = tpu.sem_alloc : memref<!tpu.dma_semaphore, #tpu.memory_space<semaphore_mem>>
      %dma_start3A_38 = arith.constant 0 : i32
      %dma_start3A_39 = arith.constant 0 : i32
      %dma_start3A_40 = tpu.memref_slice %arg3[%add3A, %dma_start3A_38, %dma_start3A_39] : memref<32x40x128xi32, #tpu.memory_space<hbm>> -> memref<1x40x128xi32, #tpu.memory_space<hbm>>
      %dma_start3A_41 = tpu.memref_squeeze %dma_start3A_40 : memref<1x40x128xi32, #tpu.memory_space<hbm>> -> memref<40x128xi32, #tpu.memory_space<hbm>>
      %dma_start3A_42 = arith.constant 0 : i32
      %dma_start3A_43 = arith.constant 0 : i32
      %dma_start3A_44 = tpu.memref_slice %arg3[%add3A, %dma_start3A_42, %dma_start3A_43] : memref<32x40x128xi32, #tpu.memory_space<hbm>> -> memref<1x40x128xi32, #tpu.memory_space<hbm>>
      %dma_start3A_45 = tpu.memref_squeeze %dma_start3A_44 : memref<1x40x128xi32, #tpu.memory_space<hbm>> -> memref<40x128xi32, #tpu.memory_space<hbm>>
      tpu.enqueue_dma source(%dma_start3A_45 : memref<40x128xi32, #tpu.memory_space<hbm>>) target(%arg8 : memref<40x128xi32, #tpu.memory_space<vmem>>) target_semaphore(%run_scoped3A : memref<!tpu.dma_semaphore, #tpu.memory_space<semaphore_mem>>)
      %dma_wait3A = arith.constant 0 : i32
      %dma_wait3A_46 = arith.constant 0 : i32
      %dma_wait3A_47 = tpu.memref_slice %arg3[%add3A, %dma_wait3A, %dma_wait3A_46] : memref<32x40x128xi32, #tpu.memory_space<hbm>> -> memref<1x40x128xi32, #tpu.memory_space<hbm>>
      %dma_wait3A_48 = tpu.memref_squeeze %dma_wait3A_47 : memref<1x40x128xi32, #tpu.memory_space<hbm>> -> memref<40x128xi32, #tpu.memory_space<hbm>>
      %dma_wait3A_49 = arith.constant 0 : i32
      %dma_wait3A_50 = arith.constant 0 : i32
      %dma_wait3A_51 = tpu.memref_slice %arg3[%add3A, %dma_wait3A_49, %dma_wait3A_50] : memref<32x40x128xi32, #tpu.memory_space<hbm>> -> memref<1x40x128xi32, #tpu.memory_space<hbm>>
      %dma_wait3A_52 = tpu.memref_squeeze %dma_wait3A_51 : memref<1x40x128xi32, #tpu.memory_space<hbm>> -> memref<40x128xi32, #tpu.memory_space<hbm>>
      tpu.wait_dma2 semaphore(%run_scoped3A : memref<!tpu.dma_semaphore, #tpu.memory_space<semaphore_mem>>) src(%dma_wait3A_52 : memref<40x128xi32, #tpu.memory_space<hbm>>) dst(%arg8 : memref<40x128xi32, #tpu.memory_space<vmem>>)
      tpu.yield
    }) : () -> ()
    "tpu.region"() ({
      %run_scoped3A = tpu.sem_alloc : memref<!tpu.dma_semaphore, #tpu.memory_space<semaphore_mem>>
      %dma_start3A_38 = arith.constant 0 : i32
      %dma_start3A_39 = arith.constant 0 : i32
      %dma_start3A_40 = tpu.memref_slice %arg4[%add3A, %dma_start3A_38, %dma_start3A_39] : memref<32x40x128xi32, #tpu.memory_space<hbm>> -> memref<1x40x128xi32, #tpu.memory_space<hbm>>
      %dma_start3A_41 = tpu.memref_squeeze %dma_start3A_40 : memref<1x40x128xi32, #tpu.memory_space<hbm>> -> memref<40x128xi32, #tpu.memory_space<hbm>>
      %dma_start3A_42 = arith.constant 0 : i32
      %dma_start3A_43 = arith.constant 0 : i32
      %dma_start3A_44 = tpu.memref_slice %arg4[%add3A, %dma_start3A_42, %dma_start3A_43] : memref<32x40x128xi32, #tpu.memory_space<hbm>> -> memref<1x40x128xi32, #tpu.memory_space<hbm>>
      %dma_start3A_45 = tpu.memref_squeeze %dma_start3A_44 : memref<1x40x128xi32, #tpu.memory_space<hbm>> -> memref<40x128xi32, #tpu.memory_space<hbm>>
      tpu.enqueue_dma source(%dma_start3A_45 : memref<40x128xi32, #tpu.memory_space<hbm>>) target(%arg9 : memref<40x128xi32, #tpu.memory_space<vmem>>) target_semaphore(%run_scoped3A : memref<!tpu.dma_semaphore, #tpu.memory_space<semaphore_mem>>)
      %dma_wait3A = arith.constant 0 : i32
      %dma_wait3A_46 = arith.constant 0 : i32
      %dma_wait3A_47 = tpu.memref_slice %arg4[%add3A, %dma_wait3A, %dma_wait3A_46] : memref<32x40x128xi32, #tpu.memory_space<hbm>> -> memref<1x40x128xi32, #tpu.memory_space<hbm>>
      %dma_wait3A_48 = tpu.memref_squeeze %dma_wait3A_47 : memref<1x40x128xi32, #tpu.memory_space<hbm>> -> memref<40x128xi32, #tpu.memory_space<hbm>>
      %dma_wait3A_49 = arith.constant 0 : i32
      %dma_wait3A_50 = arith.constant 0 : i32
      %dma_wait3A_51 = tpu.memref_slice %arg4[%add3A, %dma_wait3A_49, %dma_wait3A_50] : memref<32x40x128xi32, #tpu.memory_space<hbm>> -> memref<1x40x128xi32, #tpu.memory_space<hbm>>
      %dma_wait3A_52 = tpu.memref_squeeze %dma_wait3A_51 : memref<1x40x128xi32, #tpu.memory_space<hbm>> -> memref<40x128xi32, #tpu.memory_space<hbm>>
      tpu.wait_dma2 semaphore(%run_scoped3A : memref<!tpu.dma_semaphore, #tpu.memory_space<semaphore_mem>>) src(%dma_wait3A_52 : memref<40x128xi32, #tpu.memory_space<hbm>>) dst(%arg9 : memref<40x128xi32, #tpu.memory_space<vmem>>)
      tpu.yield
    }) : () -> ()
    "tpu.region"() ({
      %run_scoped3A = tpu.sem_alloc : memref<!tpu.dma_semaphore, #tpu.memory_space<semaphore_mem>>
      %dma_start3A_38 = arith.constant 0 : i32
      %dma_start3A_39 = arith.constant 0 : i32
      %dma_start3A_40 = tpu.memref_slice %arg5[%add3A, %dma_start3A_38, %dma_start3A_39] : memref<32x40x128xi32, #tpu.memory_space<hbm>> -> memref<1x40x128xi32, #tpu.memory_space<hbm>>
      %dma_start3A_41 = tpu.memref_squeeze %dma_start3A_40 : memref<1x40x128xi32, #tpu.memory_space<hbm>> -> memref<40x128xi32, #tpu.memory_space<hbm>>
      %dma_start3A_42 = arith.constant 0 : i32
      %dma_start3A_43 = arith.constant 0 : i32
      %dma_start3A_44 = tpu.memref_slice %arg5[%add3A, %dma_start3A_42, %dma_start3A_43] : memref<32x40x128xi32, #tpu.memory_space<hbm>> -> memref<1x40x128xi32, #tpu.memory_space<hbm>>
      %dma_start3A_45 = tpu.memref_squeeze %dma_start3A_44 : memref<1x40x128xi32, #tpu.memory_space<hbm>> -> memref<40x128xi32, #tpu.memory_space<hbm>>
      tpu.enqueue_dma source(%dma_start3A_45 : memref<40x128xi32, #tpu.memory_space<hbm>>) target(%arg10 : memref<40x128xi32, #tpu.memory_space<vmem>>) target_semaphore(%run_scoped3A : memref<!tpu.dma_semaphore, #tpu.memory_space<semaphore_mem>>)
      %dma_wait3A = arith.constant 0 : i32
      %dma_wait3A_46 = arith.constant 0 : i32
      %dma_wait3A_47 = tpu.memref_slice %arg5[%add3A, %dma_wait3A, %dma_wait3A_46] : memref<32x40x128xi32, #tpu.memory_space<hbm>> -> memref<1x40x128xi32, #tpu.memory_space<hbm>>
      %dma_wait3A_48 = tpu.memref_squeeze %dma_wait3A_47 : memref<1x40x128xi32, #tpu.memory_space<hbm>> -> memref<40x128xi32, #tpu.memory_space<hbm>>
      %dma_wait3A_49 = arith.constant 0 : i32
      %dma_wait3A_50 = arith.constant 0 : i32
      %dma_wait3A_51 = tpu.memref_slice %arg5[%add3A, %dma_wait3A_49, %dma_wait3A_50] : memref<32x40x128xi32, #tpu.memory_space<hbm>> -> memref<1x40x128xi32, #tpu.memory_space<hbm>>
      %dma_wait3A_52 = tpu.memref_squeeze %dma_wait3A_51 : memref<1x40x128xi32, #tpu.memory_space<hbm>> -> memref<40x128xi32, #tpu.memory_space<hbm>>
      tpu.wait_dma2 semaphore(%run_scoped3A : memref<!tpu.dma_semaphore, #tpu.memory_space<semaphore_mem>>) src(%dma_wait3A_52 : memref<40x128xi32, #tpu.memory_space<hbm>>) dst(%arg10 : memref<40x128xi32, #tpu.memory_space<vmem>>)
      tpu.yield
    }) : () -> ()
    %mul3A_1 = arith.constant 640 : i32
    %mul3A_2 = arith.muli %arg1, %mul3A_1 : i32
    "tpu.region"() ({
      %run_scoped3A = tpu.sem_alloc : memref<!tpu.dma_semaphore, #tpu.memory_space<semaphore_mem>>
      %dma_start3A_38 = arith.constant 0 : i32
      %dma_start3A_39 = tpu.memref_slice %arg12[%mul3A_2, %dma_start3A_38] : memref<10240x128xf32, #tpu.memory_space<vmem_shared>> -> memref<640x128xf32, #tpu.memory_space<vmem_shared>>
      %dma_start3A_40 = arith.constant 0 : i32
      %dma_start3A_41 = tpu.memref_slice %arg6[%mul3A_2, %dma_start3A_40] : memref<10240x128xf32, #tpu.memory_space<hbm>> -> memref<640x128xf32, #tpu.memory_space<hbm>>
      tpu.enqueue_dma source(%dma_start3A_41 : memref<640x128xf32, #tpu.memory_space<hbm>>) target(%dma_start3A_39 : memref<640x128xf32, #tpu.memory_space<vmem_shared>>) target_semaphore(%run_scoped3A : memref<!tpu.dma_semaphore, #tpu.memory_space<semaphore_mem>>)
      %dma_wait3A = arith.constant 0 : i32
      %dma_wait3A_42 = tpu.memref_slice %arg12[%mul3A_2, %dma_wait3A] : memref<10240x128xf32, #tpu.memory_space<vmem_shared>> -> memref<640x128xf32, #tpu.memory_space<vmem_shared>>
      %dma_wait3A_43 = arith.constant 0 : i32
      %dma_wait3A_44 = tpu.memref_slice %arg6[%mul3A_2, %dma_wait3A_43] : memref<10240x128xf32, #tpu.memory_space<hbm>> -> memref<640x128xf32, #tpu.memory_space<hbm>>
      tpu.wait_dma2 semaphore(%run_scoped3A : memref<!tpu.dma_semaphore, #tpu.memory_space<semaphore_mem>>) src(%dma_wait3A_44 : memref<640x128xf32, #tpu.memory_space<hbm>>) dst(%dma_wait3A_42 : memref<640x128xf32, #tpu.memory_space<vmem_shared>>)
      tpu.yield
    }) : () -> ()
    %scan3A = arith.constant 0 : i32
    %scan3A_3 = arith.constant 0 : i32
    %scan3A_4 = arith.constant 40 : i32
    %scan3A_5 = arith.addi %scan3A_3, %scan3A_4 : i32
    %scan3A_6 = arith.constant 1 : i32
    scf.for %scan3A_38 = %scan3A_3 to %scan3A_5 step %scan3A_6  : i32 {
      %get3A = arith.index_cast %scan3A_38 : i32 to index
      %get3A_39 = arith.constant 0 : index
      %get3A_40 = tpu.vector_load %arg9[%get3A, %get3A_39] {strides = array<i32>} : memref<40x128xi32, #tpu.memory_space<vmem>>, vector<1x16xi32>,
      %get3A_41 = vector.shape_cast %get3A_40 : vector<1x16xi32> to vector<16xi32>
      %mul3A_42 = arith.constant 10000 : i32
      %mul3A_43 = vector.broadcast %mul3A_42 : i32 to vector<16xi32>
      %mul3A_44 = arith.muli %get3A_41, %mul3A_43 : vector<16xi32>
      %get3A_45 = arith.index_cast %scan3A_38 : i32 to index
      %get3A_46 = arith.constant 0 : index
      %get3A_47 = tpu.vector_load %arg8[%get3A_45, %get3A_46] {strides = array<i32>} : memref<40x128xi32, #tpu.memory_space<vmem>>, vector<1x16xi32>,
      %get3A_48 = vector.shape_cast %get3A_47 : vector<1x16xi32> to vector<16xi32>
      %add3A_49 = arith.addi %mul3A_44, %get3A_48 : vector<16xi32>
      %swap3A = arith.index_cast %scan3A_38 : i32 to index
      %swap3A_50 = arith.constant 0 : index
      %swap3A_51 = tpu.vector_load %arg8[%swap3A, %swap3A_50] {strides = array<i32>} : memref<40x128xi32, #tpu.memory_space<vmem>>, vector<1x16xi32>,
      %swap3A_52 = vector.shape_cast %swap3A_51 : vector<1x16xi32> to vector<16xi32>
      %swap3A_53 = vector.shape_cast %add3A_49 : vector<16xi32> to vector<1x16xi32>
      tpu.vector_store %arg8[%swap3A, %swap3A_50], %swap3A_53 {strides = array<i32>} : memref<40x128xi32, #tpu.memory_space<vmem>>, vector<1x16xi32>,
      %get3A_54 = arith.index_cast %scan3A_38 : i32 to index
      %get3A_55 = arith.constant 16 : index
      %get3A_56 = tpu.vector_load %arg9[%get3A_54, %get3A_55] {strides = array<i32>} : memref<40x128xi32, #tpu.memory_space<vmem>>, vector<1x16xi32>,
      %get3A_57 = vector.shape_cast %get3A_56 : vector<1x16xi32> to vector<16xi32>
      %mul3A_58 = arith.constant 10000 : i32
      %mul3A_59 = vector.broadcast %mul3A_58 : i32 to vector<16xi32>
      %mul3A_60 = arith.muli %get3A_57, %mul3A_59 : vector<16xi32>
      %get3A_61 = arith.index_cast %scan3A_38 : i32 to index
      %get3A_62 = arith.constant 16 : index
      %get3A_63 = tpu.vector_load %arg8[%get3A_61, %get3A_62] {strides = array<i32>} : memref<40x128xi32, #tpu.memory_space<vmem>>, vector<1x16xi32>,
      %get3A_64 = vector.shape_cast %get3A_63 : vector<1x16xi32> to vector<16xi32>
      %add3A_65 = arith.addi %mul3A_60, %get3A_64 : vector<16xi32>
      %swap3A_66 = arith.index_cast %scan3A_38 : i32 to index
      %swap3A_67 = arith.constant 16 : index
      %swap3A_68 = tpu.vector_load %arg8[%swap3A_66, %swap3A_67] {strides = array<i32>} : memref<40x128xi32, #tpu.memory_space<vmem>>, vector<1x16xi32>,
      %swap3A_69 = vector.shape_cast %swap3A_68 : vector<1x16xi32> to vector<16xi32>
      %swap3A_70 = vector.shape_cast %add3A_65 : vector<16xi32> to vector<1x16xi32>
      tpu.vector_store %arg8[%swap3A_66, %swap3A_67], %swap3A_70 {strides = array<i32>} : memref<40x128xi32, #tpu.memory_space<vmem>>, vector<1x16xi32>,
      %get3A_71 = arith.index_cast %scan3A_38 : i32 to index
      %get3A_72 = arith.constant 32 : index
      %get3A_73 = tpu.vector_load %arg9[%get3A_71, %get3A_72] {strides = array<i32>} : memref<40x128xi32, #tpu.memory_space<vmem>>, vector<1x16xi32>,
      %get3A_74 = vector.shape_cast %get3A_73 : vector<1x16xi32> to vector<16xi32>
      %mul3A_75 = arith.constant 10000 : i32
      %mul3A_76 = vector.broadcast %mul3A_75 : i32 to vector<16xi32>
      %mul3A_77 = arith.muli %get3A_74, %mul3A_76 : vector<16xi32>
      %get3A_78 = arith.index_cast %scan3A_38 : i32 to index
      %get3A_79 = arith.constant 32 : index
      %get3A_80 = tpu.vector_load %arg8[%get3A_78, %get3A_79] {strides = array<i32>} : memref<40x128xi32, #tpu.memory_space<vmem>>, vector<1x16xi32>,
      %get3A_81 = vector.shape_cast %get3A_80 : vector<1x16xi32> to vector<16xi32>
      %add3A_82 = arith.addi %mul3A_77, %get3A_81 : vector<16xi32>
      %swap3A_83 = arith.index_cast %scan3A_38 : i32 to index
      %swap3A_84 = arith.constant 32 : index
      %swap3A_85 = tpu.vector_load %arg8[%swap3A_83, %swap3A_84] {strides = array<i32>} : memref<40x128xi32, #tpu.memory_space<vmem>>, vector<1x16xi32>,
      %swap3A_86 = vector.shape_cast %swap3A_85 : vector<1x16xi32> to vector<16xi32>
      %swap3A_87 = vector.shape_cast %add3A_82 : vector<16xi32> to vector<1x16xi32>
      tpu.vector_store %arg8[%swap3A_83, %swap3A_84], %swap3A_87 {strides = array<i32>} : memref<40x128xi32, #tpu.memory_space<vmem>>, vector<1x16xi32>,
      %get3A_88 = arith.index_cast %scan3A_38 : i32 to index
      %get3A_89 = arith.constant 48 : index
      %get3A_90 = tpu.vector_load %arg9[%get3A_88, %get3A_89] {strides = array<i32>} : memref<40x128xi32, #tpu.memory_space<vmem>>, vector<1x16xi32>,
      %get3A_91 = vector.shape_cast %get3A_90 : vector<1x16xi32> to vector<16xi32>
      %mul3A_92 = arith.constant 10000 : i32
      %mul3A_93 = vector.broadcast %mul3A_92 : i32 to vector<16xi32>
      %mul3A_94 = arith.muli %get3A_91, %mul3A_93 : vector<16xi32>
      %get3A_95 = arith.index_cast %scan3A_38 : i32 to index
      %get3A_96 = arith.constant 48 : index
      %get3A_97 = tpu.vector_load %arg8[%get3A_95, %get3A_96] {strides = array<i32>} : memref<40x128xi32, #tpu.memory_space<vmem>>, vector<1x16xi32>,
      %get3A_98 = vector.shape_cast %get3A_97 : vector<1x16xi32> to vector<16xi32>
      %add3A_99 = arith.addi %mul3A_94, %get3A_98 : vector<16xi32>
      %swap3A_100 = arith.index_cast %scan3A_38 : i32 to index
      %swap3A_101 = arith.constant 48 : index
      %swap3A_102 = tpu.vector_load %arg8[%swap3A_100, %swap3A_101] {strides = array<i32>} : memref<40x128xi32, #tpu.memory_space<vmem>>, vector<1x16xi32>,
      %swap3A_103 = vector.shape_cast %swap3A_102 : vector<1x16xi32> to vector<16xi32>
      %swap3A_104 = vector.shape_cast %add3A_99 : vector<16xi32> to vector<1x16xi32>
      tpu.vector_store %arg8[%swap3A_100, %swap3A_101], %swap3A_104 {strides = array<i32>} : memref<40x128xi32, #tpu.memory_space<vmem>>, vector<1x16xi32>,
      %get3A_105 = arith.index_cast %scan3A_38 : i32 to index
      %get3A_106 = arith.constant 64 : index
      %get3A_107 = tpu.vector_load %arg9[%get3A_105, %get3A_106] {strides = array<i32>} : memref<40x128xi32, #tpu.memory_space<vmem>>, vector<1x16xi32>,
      %get3A_108 = vector.shape_cast %get3A_107 : vector<1x16xi32> to vector<16xi32>
      %mul3A_109 = arith.constant 10000 : i32
      %mul3A_110 = vector.broadcast %mul3A_109 : i32 to vector<16xi32>
      %mul3A_111 = arith.muli %get3A_108, %mul3A_110 : vector<16xi32>
      %get3A_112 = arith.index_cast %scan3A_38 : i32 to index
      %get3A_113 = arith.constant 64 : index
      %get3A_114 = tpu.vector_load %arg8[%get3A_112, %get3A_113] {strides = array<i32>} : memref<40x128xi32, #tpu.memory_space<vmem>>, vector<1x16xi32>,
      %get3A_115 = vector.shape_cast %get3A_114 : vector<1x16xi32> to vector<16xi32>
      %add3A_116 = arith.addi %mul3A_111, %get3A_115 : vector<16xi32>
      %swap3A_117 = arith.index_cast %scan3A_38 : i32 to index
      %swap3A_118 = arith.constant 64 : index
      %swap3A_119 = tpu.vector_load %arg8[%swap3A_117, %swap3A_118] {strides = array<i32>} : memref<40x128xi32, #tpu.memory_space<vmem>>, vector<1x16xi32>,
      %swap3A_120 = vector.shape_cast %swap3A_119 : vector<1x16xi32> to vector<16xi32>
      %swap3A_121 = vector.shape_cast %add3A_116 : vector<16xi32> to vector<1x16xi32>
      tpu.vector_store %arg8[%swap3A_117, %swap3A_118], %swap3A_121 {strides = array<i32>} : memref<40x128xi32, #tpu.memory_space<vmem>>, vector<1x16xi32>,
      %get3A_122 = arith.index_cast %scan3A_38 : i32 to index
      %get3A_123 = arith.constant 80 : index
      %get3A_124 = tpu.vector_load %arg9[%get3A_122, %get3A_123] {strides = array<i32>} : memref<40x128xi32, #tpu.memory_space<vmem>>, vector<1x16xi32>,
      %get3A_125 = vector.shape_cast %get3A_124 : vector<1x16xi32> to vector<16xi32>
      %mul3A_126 = arith.constant 10000 : i32
      %mul3A_127 = vector.broadcast %mul3A_126 : i32 to vector<16xi32>
      %mul3A_128 = arith.muli %get3A_125, %mul3A_127 : vector<16xi32>
      %get3A_129 = arith.index_cast %scan3A_38 : i32 to index
      %get3A_130 = arith.constant 80 : index
      %get3A_131 = tpu.vector_load %arg8[%get3A_129, %get3A_130] {strides = array<i32>} : memref<40x128xi32, #tpu.memory_space<vmem>>, vector<1x16xi32>,
      %get3A_132 = vector.shape_cast %get3A_131 : vector<1x16xi32> to vector<16xi32>
      %add3A_133 = arith.addi %mul3A_128, %get3A_132 : vector<16xi32>
      %swap3A_134 = arith.index_cast %scan3A_38 : i32 to index
      %swap3A_135 = arith.constant 80 : index
      %swap3A_136 = tpu.vector_load %arg8[%swap3A_134, %swap3A_135] {strides = array<i32>} : memref<40x128xi32, #tpu.memory_space<vmem>>, vector<1x16xi32>,
      %swap3A_137 = vector.shape_cast %swap3A_136 : vector<1x16xi32> to vector<16xi32>
      %swap3A_138 = vector.shape_cast %add3A_133 : vector<16xi32> to vector<1x16xi32>
      tpu.vector_store %arg8[%swap3A_134, %swap3A_135], %swap3A_138 {strides = array<i32>} : memref<40x128xi32, #tpu.memory_space<vmem>>, vector<1x16xi32>,
      %get3A_139 = arith.index_cast %scan3A_38 : i32 to index
      %get3A_140 = arith.constant 96 : index
      %get3A_141 = tpu.vector_load %arg9[%get3A_139, %get3A_140] {strides = array<i32>} : memref<40x128xi32, #tpu.memory_space<vmem>>, vector<1x16xi32>,
      %get3A_142 = vector.shape_cast %get3A_141 : vector<1x16xi32> to vector<16xi32>
      %mul3A_143 = arith.constant 10000 : i32
      %mul3A_144 = vector.broadcast %mul3A_143 : i32 to vector<16xi32>
      %mul3A_145 = arith.muli %get3A_142, %mul3A_144 : vector<16xi32>
      %get3A_146 = arith.index_cast %scan3A_38 : i32 to index
      %get3A_147 = arith.constant 96 : index
      %get3A_148 = tpu.vector_load %arg8[%get3A_146, %get3A_147] {strides = array<i32>} : memref<40x128xi32, #tpu.memory_space<vmem>>, vector<1x16xi32>,
      %get3A_149 = vector.shape_cast %get3A_148 : vector<1x16xi32> to vector<16xi32>
      %add3A_150 = arith.addi %mul3A_145, %get3A_149 : vector<16xi32>
      %swap3A_151 = arith.index_cast %scan3A_38 : i32 to index
      %swap3A_152 = arith.constant 96 : index
      %swap3A_153 = tpu.vector_load %arg8[%swap3A_151, %swap3A_152] {strides = array<i32>} : memref<40x128xi32, #tpu.memory_space<vmem>>, vector<1x16xi32>,
      %swap3A_154 = vector.shape_cast %swap3A_153 : vector<1x16xi32> to vector<16xi32>
      %swap3A_155 = vector.shape_cast %add3A_150 : vector<16xi32> to vector<1x16xi32>
      tpu.vector_store %arg8[%swap3A_151, %swap3A_152], %swap3A_155 {strides = array<i32>} : memref<40x128xi32, #tpu.memory_space<vmem>>, vector<1x16xi32>,
      %get3A_156 = arith.index_cast %scan3A_38 : i32 to index
      %get3A_157 = arith.constant 112 : index
      %get3A_158 = tpu.vector_load %arg9[%get3A_156, %get3A_157] {strides = array<i32>} : memref<40x128xi32, #tpu.memory_space<vmem>>, vector<1x16xi32>,
      %get3A_159 = vector.shape_cast %get3A_158 : vector<1x16xi32> to vector<16xi32>
      %mul3A_160 = arith.constant 10000 : i32
      %mul3A_161 = vector.broadcast %mul3A_160 : i32 to vector<16xi32>
      %mul3A_162 = arith.muli %get3A_159, %mul3A_161 : vector<16xi32>
      %get3A_163 = arith.index_cast %scan3A_38 : i32 to index
      %get3A_164 = arith.constant 112 : index
      %get3A_165 = tpu.vector_load %arg8[%get3A_163, %get3A_164] {strides = array<i32>} : memref<40x128xi32, #tpu.memory_space<vmem>>, vector<1x16xi32>,
      %get3A_166 = vector.shape_cast %get3A_165 : vector<1x16xi32> to vector<16xi32>
      %add3A_167 = arith.addi %mul3A_162, %get3A_166 : vector<16xi32>
      %swap3A_168 = arith.index_cast %scan3A_38 : i32 to index
      %swap3A_169 = arith.constant 112 : index
      %swap3A_170 = tpu.vector_load %arg8[%swap3A_168, %swap3A_169] {strides = array<i32>} : memref<40x128xi32, #tpu.memory_space<vmem>>, vector<1x16xi32>,
      %swap3A_171 = vector.shape_cast %swap3A_170 : vector<1x16xi32> to vector<16xi32>
      %swap3A_172 = vector.shape_cast %add3A_167 : vector<16xi32> to vector<1x16xi32>
      tpu.vector_store %arg8[%swap3A_168, %swap3A_169], %swap3A_172 {strides = array<i32>} : memref<40x128xi32, #tpu.memory_space<vmem>>, vector<1x16xi32>,
    }
    %scan3A_7 = arith.constant 40 : i32
    %barrier3A = arith.constant 0 : index
    tpu.barrier barrier_id(%barrier3A)
    %dma_start3A = arith.constant 0 : i32
    %dma_start3A_8 = arith.constant 0 : i32
    %dma_start3A_9 = arith.constant 0 : i32
    %dma_start3A_10 = arith.constant 0 : i32
    %dma_start3A_11 = tpu.memref_slice %arg11[%dma_start3A_8, %dma_start3A_9, %dma_start3A_10] : memref<2x128x128xf32, #tpu.memory_space<vmem>> -> memref<1x128x128xf32, #tpu.memory_space<vmem>>
    %dma_start3A_12 = tpu.memref_squeeze %dma_start3A_11 : memref<1x128x128xf32, #tpu.memory_space<vmem>> -> memref<128x128xf32, #tpu.memory_space<vmem>>
    %dma_start3A_13 = arith.constant 0 : i32
    %dma_start3A_14 = tpu.memref_slice %arg8[%dma_start3A, %dma_start3A_13] : memref<40x128xi32, #tpu.memory_space<vmem>> -> memref<1x128xi32, #tpu.memory_space<vmem>>
    %dma_start3A_15 = tpu.memref_squeeze %dma_start3A_14 : memref<1x128xi32, #tpu.memory_space<vmem>> -> memref<128xi32, #tpu.memory_space<vmem>>
    %dma_start3A_16 = arith.constant 0 : i32
    %dma_start3A_17 = arith.constant 0 : i32
    %dma_start3A_18 = tpu.memref_slice %arg2[%dma_start3A_16, %dma_start3A_17] : memref<270000x128xf32, #tpu.memory_space<hbm>> -> memref<270000x128xf32, #tpu.memory_space<hbm>>
    tpu.enqueue_indirect_dma source(%dma_start3A_18 : memref<270000x128xf32, #tpu.memory_space<hbm>>) target(%dma_start3A_12 : memref<128x128xf32, #tpu.memory_space<vmem>>) offsets(%dma_start3A_15 : memref<128xi32, #tpu.memory_space<vmem>>) semaphore(%arg13 : memref<!tpu.dma_semaphore, #tpu.memory_space<semaphore_mem>>)
    %dma_start3A_19 = arith.constant 1 : i32
    %dma_start3A_20 = arith.constant 1 : i32
    %dma_start3A_21 = arith.constant 0 : i32
    %dma_start3A_22 = arith.constant 0 : i32
    %dma_start3A_23 = tpu.memref_slice %arg11[%dma_start3A_20, %dma_start3A_21, %dma_start3A_22] : memref<2x128x128xf32, #tpu.memory_space<vmem>> -> memref<1x128x128xf32, #tpu.memory_space<vmem>>
    %dma_start3A_24 = tpu.memref_squeeze %dma_start3A_23 : memref<1x128x128xf32, #tpu.memory_space<vmem>> -> memref<128x128xf32, #tpu.memory_space<vmem>>
    %dma_start3A_25 = arith.constant 0 : i32
    %dma_start3A_26 = tpu.memref_slice %arg8[%dma_start3A_19, %dma_start3A_25] : memref<40x128xi32, #tpu.memory_space<vmem>> -> memref<1x128xi32, #tpu.memory_space<vmem>>
    %dma_start3A_27 = tpu.memref_squeeze %dma_start3A_26 : memref<1x128xi32, #tpu.memory_space<vmem>> -> memref<128xi32, #tpu.memory_space<vmem>>
    %dma_start3A_28 = arith.constant 0 : i32
    %dma_start3A_29 = arith.constant 0 : i32
    %dma_start3A_30 = tpu.memref_slice %arg2[%dma_start3A_28, %dma_start3A_29] : memref<270000x128xf32, #tpu.memory_space<hbm>> -> memref<270000x128xf32, #tpu.memory_space<hbm>>
    tpu.enqueue_indirect_dma source(%dma_start3A_30 : memref<270000x128xf32, #tpu.memory_space<hbm>>) target(%dma_start3A_24 : memref<128x128xf32, #tpu.memory_space<vmem>>) offsets(%dma_start3A_27 : memref<128xi32, #tpu.memory_space<vmem>>) semaphore(%arg13 : memref<!tpu.dma_semaphore, #tpu.memory_space<semaphore_mem>>)
    %scan3A_31 = arith.constant 0 : i32
    %scan3A_32 = arith.constant 0 : i32
    %scan3A_33 = arith.constant 40 : i32
    %scan3A_34 = arith.addi %scan3A_32, %scan3A_33 : i32
    %scan3A_35 = arith.constant 1 : i32
    scf.for %scan3A_38 = %scan3A_32 to %scan3A_34 step %scan3A_35  : i32 {
      %rem3A = arith.constant 2 : i32
      %rem3A_39 = arith.remsi %scan3A_38, %rem3A : i32
      %dma_wait3A = arith.constant 0 : i32
      %dma_wait3A_40 = arith.constant 0 : i32
      %dma_wait3A_41 = tpu.memref_slice %arg11[%rem3A_39, %dma_wait3A, %dma_wait3A_40] : memref<2x128x128xf32, #tpu.memory_space<vmem>> -> memref<1x128x128xf32, #tpu.memory_space<vmem>>
      %dma_wait3A_42 = tpu.memref_squeeze %dma_wait3A_41 : memref<1x128x128xf32, #tpu.memory_space<vmem>> -> memref<128x128xf32, #tpu.memory_space<vmem>>
      %dma_wait3A_43 = arith.constant 0 : i32
      %dma_wait3A_44 = tpu.memref_slice %arg8[%scan3A_38, %dma_wait3A_43] : memref<40x128xi32, #tpu.memory_space<vmem>> -> memref<1x128xi32, #tpu.memory_space<vmem>>
      %dma_wait3A_45 = tpu.memref_squeeze %dma_wait3A_44 : memref<1x128xi32, #tpu.memory_space<vmem>> -> memref<128xi32, #tpu.memory_space<vmem>>
      %dma_wait3A_46 = arith.constant 0 : i32
      %dma_wait3A_47 = arith.constant 0 : i32
      %dma_wait3A_48 = tpu.memref_slice %arg2[%dma_wait3A_46, %dma_wait3A_47] : memref<270000x128xf32, #tpu.memory_space<hbm>> -> memref<270000x128xf32, #tpu.memory_space<hbm>>
      tpu.wait_indirect_dma semaphore(%arg13 : memref<!tpu.dma_semaphore, #tpu.memory_space<semaphore_mem>>) src(%dma_wait3A_48 : memref<270000x128xf32, #tpu.memory_space<hbm>>) dst(%dma_wait3A_42 : memref<128x128xf32, #tpu.memory_space<vmem>>)
      "tpu.region"() ({
        %run_scoped3A = tpu.sem_alloc : memref<!tpu.dma_semaphore, #tpu.memory_space<semaphore_mem>>
        %dma_start3A_51 = arith.constant 0 : i32
        %dma_start3A_52 = arith.constant 0 : i32
        %dma_start3A_53 = tpu.memref_slice %arg11[%rem3A_39, %dma_start3A_51, %dma_start3A_52] : memref<2x128x128xf32, #tpu.memory_space<vmem>> -> memref<1x128x128xf32, #tpu.memory_space<vmem>>
        %dma_start3A_54 = tpu.memref_squeeze %dma_start3A_53 : memref<1x128x128xf32, #tpu.memory_space<vmem>> -> memref<128x128xf32, #tpu.memory_space<vmem>>
        %dma_start3A_55 = arith.constant 0 : i32
        %dma_start3A_56 = tpu.memref_slice %arg10[%scan3A_38, %dma_start3A_55] : memref<40x128xi32, #tpu.memory_space<vmem>> -> memref<1x128xi32, #tpu.memory_space<vmem>>
        %dma_start3A_57 = tpu.memref_squeeze %dma_start3A_56 : memref<1x128xi32, #tpu.memory_space<vmem>> -> memref<128xi32, #tpu.memory_space<vmem>>
        %dma_start3A_58 = arith.constant 0 : i32
        %dma_start3A_59 = arith.constant 0 : i32
        %dma_start3A_60 = tpu.memref_slice %arg12[%dma_start3A_58, %dma_start3A_59] : memref<10240x128xf32, #tpu.memory_space<vmem_shared>> -> memref<10240x128xf32, #tpu.memory_space<vmem_shared>>
        tpu.enqueue_indirect_dma source(%dma_start3A_54 : memref<128x128xf32, #tpu.memory_space<vmem>>) target(%dma_start3A_60 : memref<10240x128xf32, #tpu.memory_space<vmem_shared>>) offsets(%dma_start3A_57 : memref<128xi32, #tpu.memory_space<vmem>>) semaphore(%run_scoped3A : memref<!tpu.dma_semaphore, #tpu.memory_space<semaphore_mem>>) {add = true}
        %dma_wait3A_61 = arith.constant 0 : i32
        %dma_wait3A_62 = arith.constant 0 : i32
        %dma_wait3A_63 = tpu.memref_slice %arg11[%rem3A_39, %dma_wait3A_61, %dma_wait3A_62] : memref<2x128x128xf32, #tpu.memory_space<vmem>> -> memref<1x128x128xf32, #tpu.memory_space<vmem>>
        %dma_wait3A_64 = tpu.memref_squeeze %dma_wait3A_63 : memref<1x128x128xf32, #tpu.memory_space<vmem>> -> memref<128x128xf32, #tpu.memory_space<vmem>>
        %dma_wait3A_65 = arith.constant 0 : i32
        %dma_wait3A_66 = tpu.memref_slice %arg10[%scan3A_38, %dma_wait3A_65] : memref<40x128xi32, #tpu.memory_space<vmem>> -> memref<1x128xi32, #tpu.memory_space<vmem>>
        %dma_wait3A_67 = tpu.memref_squeeze %dma_wait3A_66 : memref<1x128xi32, #tpu.memory_space<vmem>> -> memref<128xi32, #tpu.memory_space<vmem>>
        %dma_wait3A_68 = arith.constant 0 : i32
        %dma_wait3A_69 = arith.constant 0 : i32
        %dma_wait3A_70 = tpu.memref_slice %arg12[%dma_wait3A_68, %dma_wait3A_69] : memref<10240x128xf32, #tpu.memory_space<vmem_shared>> -> memref<10240x128xf32, #tpu.memory_space<vmem_shared>>
        tpu.wait_indirect_dma semaphore(%run_scoped3A : memref<!tpu.dma_semaphore, #tpu.memory_space<semaphore_mem>>) src(%dma_wait3A_64 : memref<128x128xf32, #tpu.memory_space<vmem>>) dst(%dma_wait3A_70 : memref<10240x128xf32, #tpu.memory_space<vmem_shared>>)
        tpu.yield
      }) : () -> ()
      %lt3A = arith.constant 38 : i32
      %lt3A_49 = arith.cmpi slt, %scan3A_38, %lt3A : i32
      %convert_element_type3A = arith.extui %lt3A_49 : i1 to i32
      %cond3A = arith.constant 0 : i32
      %cond3A_50 = arith.cmpi ne, %convert_element_type3A, %cond3A : i32
      scf.if %cond3A_50 {
        %add3A_51 = arith.constant 2 : i32
        %add3A_52 = arith.addi %scan3A_38, %add3A_51 : i32
        %dma_start3A_53 = arith.constant 0 : i32
        %dma_start3A_54 = arith.constant 0 : i32
        %dma_start3A_55 = tpu.memref_slice %arg11[%rem3A_39, %dma_start3A_53, %dma_start3A_54] : memref<2x128x128xf32, #tpu.memory_space<vmem>> -> memref<1x128x128xf32, #tpu.memory_space<vmem>>
        %dma_start3A_56 = tpu.memref_squeeze %dma_start3A_55 : memref<1x128x128xf32, #tpu.memory_space<vmem>> -> memref<128x128xf32, #tpu.memory_space<vmem>>
        %dma_start3A_57 = arith.constant 0 : i32
        %dma_start3A_58 = tpu.memref_slice %arg8[%add3A_52, %dma_start3A_57] : memref<40x128xi32, #tpu.memory_space<vmem>> -> memref<1x128xi32, #tpu.memory_space<vmem>>
        %dma_start3A_59 = tpu.memref_squeeze %dma_start3A_58 : memref<1x128xi32, #tpu.memory_space<vmem>> -> memref<128xi32, #tpu.memory_space<vmem>>
        %dma_start3A_60 = arith.constant 0 : i32
        %dma_start3A_61 = arith.constant 0 : i32
        %dma_start3A_62 = tpu.memref_slice %arg2[%dma_start3A_60, %dma_start3A_61] : memref<270000x128xf32, #tpu.memory_space<hbm>> -> memref<270000x128xf32, #tpu.memory_space<hbm>>
        tpu.enqueue_indirect_dma source(%dma_start3A_62 : memref<270000x128xf32, #tpu.memory_space<hbm>>) target(%dma_start3A_56 : memref<128x128xf32, #tpu.memory_space<vmem>>) offsets(%dma_start3A_59 : memref<128xi32, #tpu.memory_space<vmem>>) semaphore(%arg13 : memref<!tpu.dma_semaphore, #tpu.memory_space<semaphore_mem>>)
      } else {
      }
    }
    %scan3A_36 = arith.constant 40 : i32
    %barrier3A_37 = arith.constant 0 : index
    tpu.barrier barrier_id(%barrier3A_37)
    "tpu.region"() ({
      %run_scoped3A = tpu.sem_alloc : memref<!tpu.dma_semaphore, #tpu.memory_space<semaphore_mem>>
      %dma_start3A_38 = arith.constant 0 : i32
      %dma_start3A_39 = tpu.memref_slice %arg7[%arg0, %mul3A_2, %dma_start3A_38] : memref<2x10240x128xf32, #tpu.memory_space<hbm>> -> memref<1x640x128xf32, #tpu.memory_space<hbm>>
      %dma_start3A_40 = tpu.memref_squeeze %dma_start3A_39 : memref<1x640x128xf32, #tpu.memory_space<hbm>> -> memref<640x128xf32, #tpu.memory_space<hbm>>
      %dma_start3A_41 = arith.constant 0 : i32
      %dma_start3A_42 = tpu.memref_slice %arg12[%mul3A_2, %dma_start3A_41] : memref<10240x128xf32, #tpu.memory_space<vmem_shared>> -> memref<640x128xf32, #tpu.memory_space<vmem_shared>>
      tpu.enqueue_dma source(%dma_start3A_42 : memref<640x128xf32, #tpu.memory_space<vmem_shared>>) target(%dma_start3A_40 : memref<640x128xf32, #tpu.memory_space<hbm>>) target_semaphore(%run_scoped3A : memref<!tpu.dma_semaphore, #tpu.memory_space<semaphore_mem>>)
      %dma_wait3A = arith.constant 0 : i32
      %dma_wait3A_43 = tpu.memref_slice %arg7[%arg0, %mul3A_2, %dma_wait3A] : memref<2x10240x128xf32, #tpu.memory_space<hbm>> -> memref<1x640x128xf32, #tpu.memory_space<hbm>>
      %dma_wait3A_44 = tpu.memref_squeeze %dma_wait3A_43 : memref<1x640x128xf32, #tpu.memory_space<hbm>> -> memref<640x128xf32, #tpu.memory_space<hbm>>
      %dma_wait3A_45 = arith.constant 0 : i32
      %dma_wait3A_46 = tpu.memref_slice %arg12[%mul3A_2, %dma_wait3A_45] : memref<10240x128xf32, #tpu.memory_space<vmem_shared>> -> memref<640x128xf32, #tpu.memory_space<vmem_shared>>
      tpu.wait_dma2 semaphore(%run_scoped3A : memref<!tpu.dma_semaphore, #tpu.memory_space<semaphore_mem>>) src(%dma_wait3A_46 : memref<640x128xf32, #tpu.memory_space<vmem_shared>>) dst(%dma_wait3A_44 : memref<640x128xf32, #tpu.memory_space<hbm>>)
      tpu.yield
    }) : () -> ()
    return
  }
}

module attributes {stable_mosaic.version = 14 : i64} {
  func.func @_mm_body(%arg0: i32, %arg1: memref<400x128xf32, #tpu.memory_space<vmem>>, %arg2: memref<27x128x128xf32, #tpu.memory_space<vmem>>, %arg3: memref<27x400x128xf32, #tpu.memory_space<vmem>>) attributes {dimension_semantics = [#tpu.dimension_semantics<arbitrary>], iteration_bounds = array<i64: 25>, scalar_prefetch = 0 : i64, scratch_operands = 0 : i64, tpu.core_type = #tpu.core_type<tc>, window_params = [{transform_indices = @transform_0, window_bounds = array<i64: 400, 128>}, {pipeline_mode = #tpu.pipeline_mode<synchronous>, transform_indices = @transform_1, window_bounds = array<i64: 27, 128, 128>}, {transform_indices = @transform_2, window_bounds = array<i64: 27, 400, 128>}]} {
    %get3A = arith.constant 0 : index
    %get3A_0 = arith.constant 0 : index
    %get3A_1 = vector.load %arg1[%get3A, %get3A_0] : memref<400x128xf32, #tpu.memory_space<vmem>>, vector<400x128xf32>
    %get3A_2 = arith.constant 0 : index
    %get3A_3 = arith.constant 0 : index
    %get3A_4 = arith.constant 0 : index
    %get3A_5 = vector.load %arg2[%get3A_2, %get3A_3, %get3A_4] : memref<27x128x128xf32, #tpu.memory_space<vmem>>, vector<1x128x128xf32>
    %get3A_6 = vector.shape_cast %get3A_5 : vector<1x128x128xf32> to vector<128x128xf32>
    %dot_general3A = arith.constant dense<0.000000e+00> : vector<400x128xf32>
    %dot_general3A_7 = tpu.matmul %get3A_1, %get3A_6, %dot_general3A {dimension_numbers = #tpu.dot_dimension_numbers<[1], [0], [0], [1], [0, 0, 1, 1], [], []>, transpose_lhs_hint = false} : vector<400x128xf32>, vector<128x128xf32>, vector<400x128xf32> -> vector<400x128xf32>
    %swap3A = arith.constant 0 : index
    %swap3A_8 = arith.constant 0 : index
    %swap3A_9 = arith.constant 0 : index
    %swap3A_10 = vector.load %arg3[%swap3A, %swap3A_8, %swap3A_9] : memref<27x400x128xf32, #tpu.memory_space<vmem>>, vector<1x400x128xf32>
    %swap3A_11 = vector.shape_cast %swap3A_10 : vector<1x400x128xf32> to vector<400x128xf32>
    %swap3A_12 = vector.shape_cast %dot_general3A_7 : vector<400x128xf32> to vector<1x400x128xf32>
    tpu.vector_store %arg3[%swap3A, %swap3A_8, %swap3A_9], %swap3A_12 {strides = array<i32>} : memref<27x400x128xf32, #tpu.memory_space<vmem>>, vector<1x400x128xf32>,
    %get3A_13 = arith.constant 1 : index
    %get3A_14 = arith.constant 0 : index
    %get3A_15 = arith.constant 0 : index
    %get3A_16 = vector.load %arg2[%get3A_13, %get3A_14, %get3A_15] : memref<27x128x128xf32, #tpu.memory_space<vmem>>, vector<1x128x128xf32>
    %get3A_17 = vector.shape_cast %get3A_16 : vector<1x128x128xf32> to vector<128x128xf32>
    %dot_general3A_18 = arith.constant dense<0.000000e+00> : vector<400x128xf32>
    %dot_general3A_19 = tpu.matmul %get3A_1, %get3A_17, %dot_general3A_18 {dimension_numbers = #tpu.dot_dimension_numbers<[1], [0], [0], [1], [0, 0, 1, 1], [], []>, transpose_lhs_hint = false} : vector<400x128xf32>, vector<128x128xf32>, vector<400x128xf32> -> vector<400x128xf32>
    %swap3A_20 = arith.constant 1 : index
    %swap3A_21 = arith.constant 0 : index
    %swap3A_22 = arith.constant 0 : index
    %swap3A_23 = vector.load %arg3[%swap3A_20, %swap3A_21, %swap3A_22] : memref<27x400x128xf32, #tpu.memory_space<vmem>>, vector<1x400x128xf32>
    %swap3A_24 = vector.shape_cast %swap3A_23 : vector<1x400x128xf32> to vector<400x128xf32>
    %swap3A_25 = vector.shape_cast %dot_general3A_19 : vector<400x128xf32> to vector<1x400x128xf32>
    tpu.vector_store %arg3[%swap3A_20, %swap3A_21, %swap3A_22], %swap3A_25 {strides = array<i32>} : memref<27x400x128xf32, #tpu.memory_space<vmem>>, vector<1x400x128xf32>,
    %get3A_26 = arith.constant 2 : index
    %get3A_27 = arith.constant 0 : index
    %get3A_28 = arith.constant 0 : index
    %get3A_29 = vector.load %arg2[%get3A_26, %get3A_27, %get3A_28] : memref<27x128x128xf32, #tpu.memory_space<vmem>>, vector<1x128x128xf32>
    %get3A_30 = vector.shape_cast %get3A_29 : vector<1x128x128xf32> to vector<128x128xf32>
    %dot_general3A_31 = arith.constant dense<0.000000e+00> : vector<400x128xf32>
    %dot_general3A_32 = tpu.matmul %get3A_1, %get3A_30, %dot_general3A_31 {dimension_numbers = #tpu.dot_dimension_numbers<[1], [0], [0], [1], [0, 0, 1, 1], [], []>, transpose_lhs_hint = false} : vector<400x128xf32>, vector<128x128xf32>, vector<400x128xf32> -> vector<400x128xf32>
    %swap3A_33 = arith.constant 2 : index
    %swap3A_34 = arith.constant 0 : index
    %swap3A_35 = arith.constant 0 : index
    %swap3A_36 = vector.load %arg3[%swap3A_33, %swap3A_34, %swap3A_35] : memref<27x400x128xf32, #tpu.memory_space<vmem>>, vector<1x400x128xf32>
    %swap3A_37 = vector.shape_cast %swap3A_36 : vector<1x400x128xf32> to vector<400x128xf32>
    %swap3A_38 = vector.shape_cast %dot_general3A_32 : vector<400x128xf32> to vector<1x400x128xf32>
    tpu.vector_store %arg3[%swap3A_33, %swap3A_34, %swap3A_35], %swap3A_38 {strides = array<i32>} : memref<27x400x128xf32, #tpu.memory_space<vmem>>, vector<1x400x128xf32>,
    %get3A_39 = arith.constant 3 : index
    %get3A_40 = arith.constant 0 : index
    %get3A_41 = arith.constant 0 : index
    %get3A_42 = vector.load %arg2[%get3A_39, %get3A_40, %get3A_41] : memref<27x128x128xf32, #tpu.memory_space<vmem>>, vector<1x128x128xf32>
    %get3A_43 = vector.shape_cast %get3A_42 : vector<1x128x128xf32> to vector<128x128xf32>
    %dot_general3A_44 = arith.constant dense<0.000000e+00> : vector<400x128xf32>
    %dot_general3A_45 = tpu.matmul %get3A_1, %get3A_43, %dot_general3A_44 {dimension_numbers = #tpu.dot_dimension_numbers<[1], [0], [0], [1], [0, 0, 1, 1], [], []>, transpose_lhs_hint = false} : vector<400x128xf32>, vector<128x128xf32>, vector<400x128xf32> -> vector<400x128xf32>
    %swap3A_46 = arith.constant 3 : index
    %swap3A_47 = arith.constant 0 : index
    %swap3A_48 = arith.constant 0 : index
    %swap3A_49 = vector.load %arg3[%swap3A_46, %swap3A_47, %swap3A_48] : memref<27x400x128xf32, #tpu.memory_space<vmem>>, vector<1x400x128xf32>
    %swap3A_50 = vector.shape_cast %swap3A_49 : vector<1x400x128xf32> to vector<400x128xf32>
    %swap3A_51 = vector.shape_cast %dot_general3A_45 : vector<400x128xf32> to vector<1x400x128xf32>
    tpu.vector_store %arg3[%swap3A_46, %swap3A_47, %swap3A_48], %swap3A_51 {strides = array<i32>} : memref<27x400x128xf32, #tpu.memory_space<vmem>>, vector<1x400x128xf32>,
    %get3A_52 = arith.constant 4 : index
    %get3A_53 = arith.constant 0 : index
    %get3A_54 = arith.constant 0 : index
    %get3A_55 = vector.load %arg2[%get3A_52, %get3A_53, %get3A_54] : memref<27x128x128xf32, #tpu.memory_space<vmem>>, vector<1x128x128xf32>
    %get3A_56 = vector.shape_cast %get3A_55 : vector<1x128x128xf32> to vector<128x128xf32>
    %dot_general3A_57 = arith.constant dense<0.000000e+00> : vector<400x128xf32>
    %dot_general3A_58 = tpu.matmul %get3A_1, %get3A_56, %dot_general3A_57 {dimension_numbers = #tpu.dot_dimension_numbers<[1], [0], [0], [1], [0, 0, 1, 1], [], []>, transpose_lhs_hint = false} : vector<400x128xf32>, vector<128x128xf32>, vector<400x128xf32> -> vector<400x128xf32>
    %swap3A_59 = arith.constant 4 : index
    %swap3A_60 = arith.constant 0 : index
    %swap3A_61 = arith.constant 0 : index
    %swap3A_62 = vector.load %arg3[%swap3A_59, %swap3A_60, %swap3A_61] : memref<27x400x128xf32, #tpu.memory_space<vmem>>, vector<1x400x128xf32>
    %swap3A_63 = vector.shape_cast %swap3A_62 : vector<1x400x128xf32> to vector<400x128xf32>
    %swap3A_64 = vector.shape_cast %dot_general3A_58 : vector<400x128xf32> to vector<1x400x128xf32>
    tpu.vector_store %arg3[%swap3A_59, %swap3A_60, %swap3A_61], %swap3A_64 {strides = array<i32>} : memref<27x400x128xf32, #tpu.memory_space<vmem>>, vector<1x400x128xf32>,
    %get3A_65 = arith.constant 5 : index
    %get3A_66 = arith.constant 0 : index
    %get3A_67 = arith.constant 0 : index
    %get3A_68 = vector.load %arg2[%get3A_65, %get3A_66, %get3A_67] : memref<27x128x128xf32, #tpu.memory_space<vmem>>, vector<1x128x128xf32>
    %get3A_69 = vector.shape_cast %get3A_68 : vector<1x128x128xf32> to vector<128x128xf32>
    %dot_general3A_70 = arith.constant dense<0.000000e+00> : vector<400x128xf32>
    %dot_general3A_71 = tpu.matmul %get3A_1, %get3A_69, %dot_general3A_70 {dimension_numbers = #tpu.dot_dimension_numbers<[1], [0], [0], [1], [0, 0, 1, 1], [], []>, transpose_lhs_hint = false} : vector<400x128xf32>, vector<128x128xf32>, vector<400x128xf32> -> vector<400x128xf32>
    %swap3A_72 = arith.constant 5 : index
    %swap3A_73 = arith.constant 0 : index
    %swap3A_74 = arith.constant 0 : index
    %swap3A_75 = vector.load %arg3[%swap3A_72, %swap3A_73, %swap3A_74] : memref<27x400x128xf32, #tpu.memory_space<vmem>>, vector<1x400x128xf32>
    %swap3A_76 = vector.shape_cast %swap3A_75 : vector<1x400x128xf32> to vector<400x128xf32>
    %swap3A_77 = vector.shape_cast %dot_general3A_71 : vector<400x128xf32> to vector<1x400x128xf32>
    tpu.vector_store %arg3[%swap3A_72, %swap3A_73, %swap3A_74], %swap3A_77 {strides = array<i32>} : memref<27x400x128xf32, #tpu.memory_space<vmem>>, vector<1x400x128xf32>,
    %get3A_78 = arith.constant 6 : index
    %get3A_79 = arith.constant 0 : index
    %get3A_80 = arith.constant 0 : index
    %get3A_81 = vector.load %arg2[%get3A_78, %get3A_79, %get3A_80] : memref<27x128x128xf32, #tpu.memory_space<vmem>>, vector<1x128x128xf32>
    %get3A_82 = vector.shape_cast %get3A_81 : vector<1x128x128xf32> to vector<128x128xf32>
    %dot_general3A_83 = arith.constant dense<0.000000e+00> : vector<400x128xf32>
    %dot_general3A_84 = tpu.matmul %get3A_1, %get3A_82, %dot_general3A_83 {dimension_numbers = #tpu.dot_dimension_numbers<[1], [0], [0], [1], [0, 0, 1, 1], [], []>, transpose_lhs_hint = false} : vector<400x128xf32>, vector<128x128xf32>, vector<400x128xf32> -> vector<400x128xf32>
    %swap3A_85 = arith.constant 6 : index
    %swap3A_86 = arith.constant 0 : index
    %swap3A_87 = arith.constant 0 : index
    %swap3A_88 = vector.load %arg3[%swap3A_85, %swap3A_86, %swap3A_87] : memref<27x400x128xf32, #tpu.memory_space<vmem>>, vector<1x400x128xf32>
    %swap3A_89 = vector.shape_cast %swap3A_88 : vector<1x400x128xf32> to vector<400x128xf32>
    %swap3A_90 = vector.shape_cast %dot_general3A_84 : vector<400x128xf32> to vector<1x400x128xf32>
    tpu.vector_store %arg3[%swap3A_85, %swap3A_86, %swap3A_87], %swap3A_90 {strides = array<i32>} : memref<27x400x128xf32, #tpu.memory_space<vmem>>, vector<1x400x128xf32>,
    %get3A_91 = arith.constant 7 : index
    %get3A_92 = arith.constant 0 : index
    %get3A_93 = arith.constant 0 : index
    %get3A_94 = vector.load %arg2[%get3A_91, %get3A_92, %get3A_93] : memref<27x128x128xf32, #tpu.memory_space<vmem>>, vector<1x128x128xf32>
    %get3A_95 = vector.shape_cast %get3A_94 : vector<1x128x128xf32> to vector<128x128xf32>
    %dot_general3A_96 = arith.constant dense<0.000000e+00> : vector<400x128xf32>
    %dot_general3A_97 = tpu.matmul %get3A_1, %get3A_95, %dot_general3A_96 {dimension_numbers = #tpu.dot_dimension_numbers<[1], [0], [0], [1], [0, 0, 1, 1], [], []>, transpose_lhs_hint = false} : vector<400x128xf32>, vector<128x128xf32>, vector<400x128xf32> -> vector<400x128xf32>
    %swap3A_98 = arith.constant 7 : index
    %swap3A_99 = arith.constant 0 : index
    %swap3A_100 = arith.constant 0 : index
    %swap3A_101 = vector.load %arg3[%swap3A_98, %swap3A_99, %swap3A_100] : memref<27x400x128xf32, #tpu.memory_space<vmem>>, vector<1x400x128xf32>
    %swap3A_102 = vector.shape_cast %swap3A_101 : vector<1x400x128xf32> to vector<400x128xf32>
    %swap3A_103 = vector.shape_cast %dot_general3A_97 : vector<400x128xf32> to vector<1x400x128xf32>
    tpu.vector_store %arg3[%swap3A_98, %swap3A_99, %swap3A_100], %swap3A_103 {strides = array<i32>} : memref<27x400x128xf32, #tpu.memory_space<vmem>>, vector<1x400x128xf32>,
    %get3A_104 = arith.constant 8 : index
    %get3A_105 = arith.constant 0 : index
    %get3A_106 = arith.constant 0 : index
    %get3A_107 = vector.load %arg2[%get3A_104, %get3A_105, %get3A_106] : memref<27x128x128xf32, #tpu.memory_space<vmem>>, vector<1x128x128xf32>
    %get3A_108 = vector.shape_cast %get3A_107 : vector<1x128x128xf32> to vector<128x128xf32>
    %dot_general3A_109 = arith.constant dense<0.000000e+00> : vector<400x128xf32>
    %dot_general3A_110 = tpu.matmul %get3A_1, %get3A_108, %dot_general3A_109 {dimension_numbers = #tpu.dot_dimension_numbers<[1], [0], [0], [1], [0, 0, 1, 1], [], []>, transpose_lhs_hint = false} : vector<400x128xf32>, vector<128x128xf32>, vector<400x128xf32> -> vector<400x128xf32>
    %swap3A_111 = arith.constant 8 : index
    %swap3A_112 = arith.constant 0 : index
    %swap3A_113 = arith.constant 0 : index
    %swap3A_114 = vector.load %arg3[%swap3A_111, %swap3A_112, %swap3A_113] : memref<27x400x128xf32, #tpu.memory_space<vmem>>, vector<1x400x128xf32>
    %swap3A_115 = vector.shape_cast %swap3A_114 : vector<1x400x128xf32> to vector<400x128xf32>
    %swap3A_116 = vector.shape_cast %dot_general3A_110 : vector<400x128xf32> to vector<1x400x128xf32>
    tpu.vector_store %arg3[%swap3A_111, %swap3A_112, %swap3A_113], %swap3A_116 {strides = array<i32>} : memref<27x400x128xf32, #tpu.memory_space<vmem>>, vector<1x400x128xf32>,
    %get3A_117 = arith.constant 9 : index
    %get3A_118 = arith.constant 0 : index
    %get3A_119 = arith.constant 0 : index
    %get3A_120 = vector.load %arg2[%get3A_117, %get3A_118, %get3A_119] : memref<27x128x128xf32, #tpu.memory_space<vmem>>, vector<1x128x128xf32>
    %get3A_121 = vector.shape_cast %get3A_120 : vector<1x128x128xf32> to vector<128x128xf32>
    %dot_general3A_122 = arith.constant dense<0.000000e+00> : vector<400x128xf32>
    %dot_general3A_123 = tpu.matmul %get3A_1, %get3A_121, %dot_general3A_122 {dimension_numbers = #tpu.dot_dimension_numbers<[1], [0], [0], [1], [0, 0, 1, 1], [], []>, transpose_lhs_hint = false} : vector<400x128xf32>, vector<128x128xf32>, vector<400x128xf32> -> vector<400x128xf32>
    %swap3A_124 = arith.constant 9 : index
    %swap3A_125 = arith.constant 0 : index
    %swap3A_126 = arith.constant 0 : index
    %swap3A_127 = vector.load %arg3[%swap3A_124, %swap3A_125, %swap3A_126] : memref<27x400x128xf32, #tpu.memory_space<vmem>>, vector<1x400x128xf32>
    %swap3A_128 = vector.shape_cast %swap3A_127 : vector<1x400x128xf32> to vector<400x128xf32>
    %swap3A_129 = vector.shape_cast %dot_general3A_123 : vector<400x128xf32> to vector<1x400x128xf32>
    tpu.vector_store %arg3[%swap3A_124, %swap3A_125, %swap3A_126], %swap3A_129 {strides = array<i32>} : memref<27x400x128xf32, #tpu.memory_space<vmem>>, vector<1x400x128xf32>,
    %get3A_130 = arith.constant 10 : index
    %get3A_131 = arith.constant 0 : index
    %get3A_132 = arith.constant 0 : index
    %get3A_133 = vector.load %arg2[%get3A_130, %get3A_131, %get3A_132] : memref<27x128x128xf32, #tpu.memory_space<vmem>>, vector<1x128x128xf32>
    %get3A_134 = vector.shape_cast %get3A_133 : vector<1x128x128xf32> to vector<128x128xf32>
    %dot_general3A_135 = arith.constant dense<0.000000e+00> : vector<400x128xf32>
    %dot_general3A_136 = tpu.matmul %get3A_1, %get3A_134, %dot_general3A_135 {dimension_numbers = #tpu.dot_dimension_numbers<[1], [0], [0], [1], [0, 0, 1, 1], [], []>, transpose_lhs_hint = false} : vector<400x128xf32>, vector<128x128xf32>, vector<400x128xf32> -> vector<400x128xf32>
    %swap3A_137 = arith.constant 10 : index
    %swap3A_138 = arith.constant 0 : index
    %swap3A_139 = arith.constant 0 : index
    %swap3A_140 = vector.load %arg3[%swap3A_137, %swap3A_138, %swap3A_139] : memref<27x400x128xf32, #tpu.memory_space<vmem>>, vector<1x400x128xf32>
    %swap3A_141 = vector.shape_cast %swap3A_140 : vector<1x400x128xf32> to vector<400x128xf32>
    %swap3A_142 = vector.shape_cast %dot_general3A_136 : vector<400x128xf32> to vector<1x400x128xf32>
    tpu.vector_store %arg3[%swap3A_137, %swap3A_138, %swap3A_139], %swap3A_142 {strides = array<i32>} : memref<27x400x128xf32, #tpu.memory_space<vmem>>, vector<1x400x128xf32>,
    %get3A_143 = arith.constant 11 : index
    %get3A_144 = arith.constant 0 : index
    %get3A_145 = arith.constant 0 : index
    %get3A_146 = vector.load %arg2[%get3A_143, %get3A_144, %get3A_145] : memref<27x128x128xf32, #tpu.memory_space<vmem>>, vector<1x128x128xf32>
    %get3A_147 = vector.shape_cast %get3A_146 : vector<1x128x128xf32> to vector<128x128xf32>
    %dot_general3A_148 = arith.constant dense<0.000000e+00> : vector<400x128xf32>
    %dot_general3A_149 = tpu.matmul %get3A_1, %get3A_147, %dot_general3A_148 {dimension_numbers = #tpu.dot_dimension_numbers<[1], [0], [0], [1], [0, 0, 1, 1], [], []>, transpose_lhs_hint = false} : vector<400x128xf32>, vector<128x128xf32>, vector<400x128xf32> -> vector<400x128xf32>
    %swap3A_150 = arith.constant 11 : index
    %swap3A_151 = arith.constant 0 : index
    %swap3A_152 = arith.constant 0 : index
    %swap3A_153 = vector.load %arg3[%swap3A_150, %swap3A_151, %swap3A_152] : memref<27x400x128xf32, #tpu.memory_space<vmem>>, vector<1x400x128xf32>
    %swap3A_154 = vector.shape_cast %swap3A_153 : vector<1x400x128xf32> to vector<400x128xf32>
    %swap3A_155 = vector.shape_cast %dot_general3A_149 : vector<400x128xf32> to vector<1x400x128xf32>
    tpu.vector_store %arg3[%swap3A_150, %swap3A_151, %swap3A_152], %swap3A_155 {strides = array<i32>} : memref<27x400x128xf32, #tpu.memory_space<vmem>>, vector<1x400x128xf32>,
    %get3A_156 = arith.constant 12 : index
    %get3A_157 = arith.constant 0 : index
    %get3A_158 = arith.constant 0 : index
    %get3A_159 = vector.load %arg2[%get3A_156, %get3A_157, %get3A_158] : memref<27x128x128xf32, #tpu.memory_space<vmem>>, vector<1x128x128xf32>
    %get3A_160 = vector.shape_cast %get3A_159 : vector<1x128x128xf32> to vector<128x128xf32>
    %dot_general3A_161 = arith.constant dense<0.000000e+00> : vector<400x128xf32>
    %dot_general3A_162 = tpu.matmul %get3A_1, %get3A_160, %dot_general3A_161 {dimension_numbers = #tpu.dot_dimension_numbers<[1], [0], [0], [1], [0, 0, 1, 1], [], []>, transpose_lhs_hint = false} : vector<400x128xf32>, vector<128x128xf32>, vector<400x128xf32> -> vector<400x128xf32>
    %swap3A_163 = arith.constant 12 : index
    %swap3A_164 = arith.constant 0 : index
    %swap3A_165 = arith.constant 0 : index
    %swap3A_166 = vector.load %arg3[%swap3A_163, %swap3A_164, %swap3A_165] : memref<27x400x128xf32, #tpu.memory_space<vmem>>, vector<1x400x128xf32>
    %swap3A_167 = vector.shape_cast %swap3A_166 : vector<1x400x128xf32> to vector<400x128xf32>
    %swap3A_168 = vector.shape_cast %dot_general3A_162 : vector<400x128xf32> to vector<1x400x128xf32>
    tpu.vector_store %arg3[%swap3A_163, %swap3A_164, %swap3A_165], %swap3A_168 {strides = array<i32>} : memref<27x400x128xf32, #tpu.memory_space<vmem>>, vector<1x400x128xf32>,
    %get3A_169 = arith.constant 13 : index
    %get3A_170 = arith.constant 0 : index
    %get3A_171 = arith.constant 0 : index
    %get3A_172 = vector.load %arg2[%get3A_169, %get3A_170, %get3A_171] : memref<27x128x128xf32, #tpu.memory_space<vmem>>, vector<1x128x128xf32>
    %get3A_173 = vector.shape_cast %get3A_172 : vector<1x128x128xf32> to vector<128x128xf32>
    %dot_general3A_174 = arith.constant dense<0.000000e+00> : vector<400x128xf32>
    %dot_general3A_175 = tpu.matmul %get3A_1, %get3A_173, %dot_general3A_174 {dimension_numbers = #tpu.dot_dimension_numbers<[1], [0], [0], [1], [0, 0, 1, 1], [], []>, transpose_lhs_hint = false} : vector<400x128xf32>, vector<128x128xf32>, vector<400x128xf32> -> vector<400x128xf32>
    %swap3A_176 = arith.constant 13 : index
    %swap3A_177 = arith.constant 0 : index
    %swap3A_178 = arith.constant 0 : index
    %swap3A_179 = vector.load %arg3[%swap3A_176, %swap3A_177, %swap3A_178] : memref<27x400x128xf32, #tpu.memory_space<vmem>>, vector<1x400x128xf32>
    %swap3A_180 = vector.shape_cast %swap3A_179 : vector<1x400x128xf32> to vector<400x128xf32>
    %swap3A_181 = vector.shape_cast %dot_general3A_175 : vector<400x128xf32> to vector<1x400x128xf32>
    tpu.vector_store %arg3[%swap3A_176, %swap3A_177, %swap3A_178], %swap3A_181 {strides = array<i32>} : memref<27x400x128xf32, #tpu.memory_space<vmem>>, vector<1x400x128xf32>,
    %get3A_182 = arith.constant 14 : index
    %get3A_183 = arith.constant 0 : index
    %get3A_184 = arith.constant 0 : index
    %get3A_185 = vector.load %arg2[%get3A_182, %get3A_183, %get3A_184] : memref<27x128x128xf32, #tpu.memory_space<vmem>>, vector<1x128x128xf32>
    %get3A_186 = vector.shape_cast %get3A_185 : vector<1x128x128xf32> to vector<128x128xf32>
    %dot_general3A_187 = arith.constant dense<0.000000e+00> : vector<400x128xf32>
    %dot_general3A_188 = tpu.matmul %get3A_1, %get3A_186, %dot_general3A_187 {dimension_numbers = #tpu.dot_dimension_numbers<[1], [0], [0], [1], [0, 0, 1, 1], [], []>, transpose_lhs_hint = false} : vector<400x128xf32>, vector<128x128xf32>, vector<400x128xf32> -> vector<400x128xf32>
    %swap3A_189 = arith.constant 14 : index
    %swap3A_190 = arith.constant 0 : index
    %swap3A_191 = arith.constant 0 : index
    %swap3A_192 = vector.load %arg3[%swap3A_189, %swap3A_190, %swap3A_191] : memref<27x400x128xf32, #tpu.memory_space<vmem>>, vector<1x400x128xf32>
    %swap3A_193 = vector.shape_cast %swap3A_192 : vector<1x400x128xf32> to vector<400x128xf32>
    %swap3A_194 = vector.shape_cast %dot_general3A_188 : vector<400x128xf32> to vector<1x400x128xf32>
    tpu.vector_store %arg3[%swap3A_189, %swap3A_190, %swap3A_191], %swap3A_194 {strides = array<i32>} : memref<27x400x128xf32, #tpu.memory_space<vmem>>, vector<1x400x128xf32>,
    %get3A_195 = arith.constant 15 : index
    %get3A_196 = arith.constant 0 : index
    %get3A_197 = arith.constant 0 : index
    %get3A_198 = vector.load %arg2[%get3A_195, %get3A_196, %get3A_197] : memref<27x128x128xf32, #tpu.memory_space<vmem>>, vector<1x128x128xf32>
    %get3A_199 = vector.shape_cast %get3A_198 : vector<1x128x128xf32> to vector<128x128xf32>
    %dot_general3A_200 = arith.constant dense<0.000000e+00> : vector<400x128xf32>
    %dot_general3A_201 = tpu.matmul %get3A_1, %get3A_199, %dot_general3A_200 {dimension_numbers = #tpu.dot_dimension_numbers<[1], [0], [0], [1], [0, 0, 1, 1], [], []>, transpose_lhs_hint = false} : vector<400x128xf32>, vector<128x128xf32>, vector<400x128xf32> -> vector<400x128xf32>
    %swap3A_202 = arith.constant 15 : index
    %swap3A_203 = arith.constant 0 : index
    %swap3A_204 = arith.constant 0 : index
    %swap3A_205 = vector.load %arg3[%swap3A_202, %swap3A_203, %swap3A_204] : memref<27x400x128xf32, #tpu.memory_space<vmem>>, vector<1x400x128xf32>
    %swap3A_206 = vector.shape_cast %swap3A_205 : vector<1x400x128xf32> to vector<400x128xf32>
    %swap3A_207 = vector.shape_cast %dot_general3A_201 : vector<400x128xf32> to vector<1x400x128xf32>
    tpu.vector_store %arg3[%swap3A_202, %swap3A_203, %swap3A_204], %swap3A_207 {strides = array<i32>} : memref<27x400x128xf32, #tpu.memory_space<vmem>>, vector<1x400x128xf32>,
    %get3A_208 = arith.constant 16 : index
    %get3A_209 = arith.constant 0 : index
    %get3A_210 = arith.constant 0 : index
    %get3A_211 = vector.load %arg2[%get3A_208, %get3A_209, %get3A_210] : memref<27x128x128xf32, #tpu.memory_space<vmem>>, vector<1x128x128xf32>
    %get3A_212 = vector.shape_cast %get3A_211 : vector<1x128x128xf32> to vector<128x128xf32>
    %dot_general3A_213 = arith.constant dense<0.000000e+00> : vector<400x128xf32>
    %dot_general3A_214 = tpu.matmul %get3A_1, %get3A_212, %dot_general3A_213 {dimension_numbers = #tpu.dot_dimension_numbers<[1], [0], [0], [1], [0, 0, 1, 1], [], []>, transpose_lhs_hint = false} : vector<400x128xf32>, vector<128x128xf32>, vector<400x128xf32> -> vector<400x128xf32>
    %swap3A_215 = arith.constant 16 : index
    %swap3A_216 = arith.constant 0 : index
    %swap3A_217 = arith.constant 0 : index
    %swap3A_218 = vector.load %arg3[%swap3A_215, %swap3A_216, %swap3A_217] : memref<27x400x128xf32, #tpu.memory_space<vmem>>, vector<1x400x128xf32>
    %swap3A_219 = vector.shape_cast %swap3A_218 : vector<1x400x128xf32> to vector<400x128xf32>
    %swap3A_220 = vector.shape_cast %dot_general3A_214 : vector<400x128xf32> to vector<1x400x128xf32>
    tpu.vector_store %arg3[%swap3A_215, %swap3A_216, %swap3A_217], %swap3A_220 {strides = array<i32>} : memref<27x400x128xf32, #tpu.memory_space<vmem>>, vector<1x400x128xf32>,
    %get3A_221 = arith.constant 17 : index
    %get3A_222 = arith.constant 0 : index
    %get3A_223 = arith.constant 0 : index
    %get3A_224 = vector.load %arg2[%get3A_221, %get3A_222, %get3A_223] : memref<27x128x128xf32, #tpu.memory_space<vmem>>, vector<1x128x128xf32>
    %get3A_225 = vector.shape_cast %get3A_224 : vector<1x128x128xf32> to vector<128x128xf32>
    %dot_general3A_226 = arith.constant dense<0.000000e+00> : vector<400x128xf32>
    %dot_general3A_227 = tpu.matmul %get3A_1, %get3A_225, %dot_general3A_226 {dimension_numbers = #tpu.dot_dimension_numbers<[1], [0], [0], [1], [0, 0, 1, 1], [], []>, transpose_lhs_hint = false} : vector<400x128xf32>, vector<128x128xf32>, vector<400x128xf32> -> vector<400x128xf32>
    %swap3A_228 = arith.constant 17 : index
    %swap3A_229 = arith.constant 0 : index
    %swap3A_230 = arith.constant 0 : index
    %swap3A_231 = vector.load %arg3[%swap3A_228, %swap3A_229, %swap3A_230] : memref<27x400x128xf32, #tpu.memory_space<vmem>>, vector<1x400x128xf32>
    %swap3A_232 = vector.shape_cast %swap3A_231 : vector<1x400x128xf32> to vector<400x128xf32>
    %swap3A_233 = vector.shape_cast %dot_general3A_227 : vector<400x128xf32> to vector<1x400x128xf32>
    tpu.vector_store %arg3[%swap3A_228, %swap3A_229, %swap3A_230], %swap3A_233 {strides = array<i32>} : memref<27x400x128xf32, #tpu.memory_space<vmem>>, vector<1x400x128xf32>,
    %get3A_234 = arith.constant 18 : index
    %get3A_235 = arith.constant 0 : index
    %get3A_236 = arith.constant 0 : index
    %get3A_237 = vector.load %arg2[%get3A_234, %get3A_235, %get3A_236] : memref<27x128x128xf32, #tpu.memory_space<vmem>>, vector<1x128x128xf32>
    %get3A_238 = vector.shape_cast %get3A_237 : vector<1x128x128xf32> to vector<128x128xf32>
    %dot_general3A_239 = arith.constant dense<0.000000e+00> : vector<400x128xf32>
    %dot_general3A_240 = tpu.matmul %get3A_1, %get3A_238, %dot_general3A_239 {dimension_numbers = #tpu.dot_dimension_numbers<[1], [0], [0], [1], [0, 0, 1, 1], [], []>, transpose_lhs_hint = false} : vector<400x128xf32>, vector<128x128xf32>, vector<400x128xf32> -> vector<400x128xf32>
    %swap3A_241 = arith.constant 18 : index
    %swap3A_242 = arith.constant 0 : index
    %swap3A_243 = arith.constant 0 : index
    %swap3A_244 = vector.load %arg3[%swap3A_241, %swap3A_242, %swap3A_243] : memref<27x400x128xf32, #tpu.memory_space<vmem>>, vector<1x400x128xf32>
    %swap3A_245 = vector.shape_cast %swap3A_244 : vector<1x400x128xf32> to vector<400x128xf32>
    %swap3A_246 = vector.shape_cast %dot_general3A_240 : vector<400x128xf32> to vector<1x400x128xf32>
    tpu.vector_store %arg3[%swap3A_241, %swap3A_242, %swap3A_243], %swap3A_246 {strides = array<i32>} : memref<27x400x128xf32, #tpu.memory_space<vmem>>, vector<1x400x128xf32>,
    %get3A_247 = arith.constant 19 : index
    %get3A_248 = arith.constant 0 : index
    %get3A_249 = arith.constant 0 : index
    %get3A_250 = vector.load %arg2[%get3A_247, %get3A_248, %get3A_249] : memref<27x128x128xf32, #tpu.memory_space<vmem>>, vector<1x128x128xf32>
    %get3A_251 = vector.shape_cast %get3A_250 : vector<1x128x128xf32> to vector<128x128xf32>
    %dot_general3A_252 = arith.constant dense<0.000000e+00> : vector<400x128xf32>
    %dot_general3A_253 = tpu.matmul %get3A_1, %get3A_251, %dot_general3A_252 {dimension_numbers = #tpu.dot_dimension_numbers<[1], [0], [0], [1], [0, 0, 1, 1], [], []>, transpose_lhs_hint = false} : vector<400x128xf32>, vector<128x128xf32>, vector<400x128xf32> -> vector<400x128xf32>
    %swap3A_254 = arith.constant 19 : index
    %swap3A_255 = arith.constant 0 : index
    %swap3A_256 = arith.constant 0 : index
    %swap3A_257 = vector.load %arg3[%swap3A_254, %swap3A_255, %swap3A_256] : memref<27x400x128xf32, #tpu.memory_space<vmem>>, vector<1x400x128xf32>
    %swap3A_258 = vector.shape_cast %swap3A_257 : vector<1x400x128xf32> to vector<400x128xf32>
    %swap3A_259 = vector.shape_cast %dot_general3A_253 : vector<400x128xf32> to vector<1x400x128xf32>
    tpu.vector_store %arg3[%swap3A_254, %swap3A_255, %swap3A_256], %swap3A_259 {strides = array<i32>} : memref<27x400x128xf32, #tpu.memory_space<vmem>>, vector<1x400x128xf32>,
    %get3A_260 = arith.constant 20 : index
    %get3A_261 = arith.constant 0 : index
    %get3A_262 = arith.constant 0 : index
    %get3A_263 = vector.load %arg2[%get3A_260, %get3A_261, %get3A_262] : memref<27x128x128xf32, #tpu.memory_space<vmem>>, vector<1x128x128xf32>
    %get3A_264 = vector.shape_cast %get3A_263 : vector<1x128x128xf32> to vector<128x128xf32>
    %dot_general3A_265 = arith.constant dense<0.000000e+00> : vector<400x128xf32>
    %dot_general3A_266 = tpu.matmul %get3A_1, %get3A_264, %dot_general3A_265 {dimension_numbers = #tpu.dot_dimension_numbers<[1], [0], [0], [1], [0, 0, 1, 1], [], []>, transpose_lhs_hint = false} : vector<400x128xf32>, vector<128x128xf32>, vector<400x128xf32> -> vector<400x128xf32>
    %swap3A_267 = arith.constant 20 : index
    %swap3A_268 = arith.constant 0 : index
    %swap3A_269 = arith.constant 0 : index
    %swap3A_270 = vector.load %arg3[%swap3A_267, %swap3A_268, %swap3A_269] : memref<27x400x128xf32, #tpu.memory_space<vmem>>, vector<1x400x128xf32>
    %swap3A_271 = vector.shape_cast %swap3A_270 : vector<1x400x128xf32> to vector<400x128xf32>
    %swap3A_272 = vector.shape_cast %dot_general3A_266 : vector<400x128xf32> to vector<1x400x128xf32>
    tpu.vector_store %arg3[%swap3A_267, %swap3A_268, %swap3A_269], %swap3A_272 {strides = array<i32>} : memref<27x400x128xf32, #tpu.memory_space<vmem>>, vector<1x400x128xf32>,
    %get3A_273 = arith.constant 21 : index
    %get3A_274 = arith.constant 0 : index
    %get3A_275 = arith.constant 0 : index
    %get3A_276 = vector.load %arg2[%get3A_273, %get3A_274, %get3A_275] : memref<27x128x128xf32, #tpu.memory_space<vmem>>, vector<1x128x128xf32>
    %get3A_277 = vector.shape_cast %get3A_276 : vector<1x128x128xf32> to vector<128x128xf32>
    %dot_general3A_278 = arith.constant dense<0.000000e+00> : vector<400x128xf32>
    %dot_general3A_279 = tpu.matmul %get3A_1, %get3A_277, %dot_general3A_278 {dimension_numbers = #tpu.dot_dimension_numbers<[1], [0], [0], [1], [0, 0, 1, 1], [], []>, transpose_lhs_hint = false} : vector<400x128xf32>, vector<128x128xf32>, vector<400x128xf32> -> vector<400x128xf32>
    %swap3A_280 = arith.constant 21 : index
    %swap3A_281 = arith.constant 0 : index
    %swap3A_282 = arith.constant 0 : index
    %swap3A_283 = vector.load %arg3[%swap3A_280, %swap3A_281, %swap3A_282] : memref<27x400x128xf32, #tpu.memory_space<vmem>>, vector<1x400x128xf32>
    %swap3A_284 = vector.shape_cast %swap3A_283 : vector<1x400x128xf32> to vector<400x128xf32>
    %swap3A_285 = vector.shape_cast %dot_general3A_279 : vector<400x128xf32> to vector<1x400x128xf32>
    tpu.vector_store %arg3[%swap3A_280, %swap3A_281, %swap3A_282], %swap3A_285 {strides = array<i32>} : memref<27x400x128xf32, #tpu.memory_space<vmem>>, vector<1x400x128xf32>,
    %get3A_286 = arith.constant 22 : index
    %get3A_287 = arith.constant 0 : index
    %get3A_288 = arith.constant 0 : index
    %get3A_289 = vector.load %arg2[%get3A_286, %get3A_287, %get3A_288] : memref<27x128x128xf32, #tpu.memory_space<vmem>>, vector<1x128x128xf32>
    %get3A_290 = vector.shape_cast %get3A_289 : vector<1x128x128xf32> to vector<128x128xf32>
    %dot_general3A_291 = arith.constant dense<0.000000e+00> : vector<400x128xf32>
    %dot_general3A_292 = tpu.matmul %get3A_1, %get3A_290, %dot_general3A_291 {dimension_numbers = #tpu.dot_dimension_numbers<[1], [0], [0], [1], [0, 0, 1, 1], [], []>, transpose_lhs_hint = false} : vector<400x128xf32>, vector<128x128xf32>, vector<400x128xf32> -> vector<400x128xf32>
    %swap3A_293 = arith.constant 22 : index
    %swap3A_294 = arith.constant 0 : index
    %swap3A_295 = arith.constant 0 : index
    %swap3A_296 = vector.load %arg3[%swap3A_293, %swap3A_294, %swap3A_295] : memref<27x400x128xf32, #tpu.memory_space<vmem>>, vector<1x400x128xf32>
    %swap3A_297 = vector.shape_cast %swap3A_296 : vector<1x400x128xf32> to vector<400x128xf32>
    %swap3A_298 = vector.shape_cast %dot_general3A_292 : vector<400x128xf32> to vector<1x400x128xf32>
    tpu.vector_store %arg3[%swap3A_293, %swap3A_294, %swap3A_295], %swap3A_298 {strides = array<i32>} : memref<27x400x128xf32, #tpu.memory_space<vmem>>, vector<1x400x128xf32>,
    %get3A_299 = arith.constant 23 : index
    %get3A_300 = arith.constant 0 : index
    %get3A_301 = arith.constant 0 : index
    %get3A_302 = vector.load %arg2[%get3A_299, %get3A_300, %get3A_301] : memref<27x128x128xf32, #tpu.memory_space<vmem>>, vector<1x128x128xf32>
    %get3A_303 = vector.shape_cast %get3A_302 : vector<1x128x128xf32> to vector<128x128xf32>
    %dot_general3A_304 = arith.constant dense<0.000000e+00> : vector<400x128xf32>
    %dot_general3A_305 = tpu.matmul %get3A_1, %get3A_303, %dot_general3A_304 {dimension_numbers = #tpu.dot_dimension_numbers<[1], [0], [0], [1], [0, 0, 1, 1], [], []>, transpose_lhs_hint = false} : vector<400x128xf32>, vector<128x128xf32>, vector<400x128xf32> -> vector<400x128xf32>
    %swap3A_306 = arith.constant 23 : index
    %swap3A_307 = arith.constant 0 : index
    %swap3A_308 = arith.constant 0 : index
    %swap3A_309 = vector.load %arg3[%swap3A_306, %swap3A_307, %swap3A_308] : memref<27x400x128xf32, #tpu.memory_space<vmem>>, vector<1x400x128xf32>
    %swap3A_310 = vector.shape_cast %swap3A_309 : vector<1x400x128xf32> to vector<400x128xf32>
    %swap3A_311 = vector.shape_cast %dot_general3A_305 : vector<400x128xf32> to vector<1x400x128xf32>
    tpu.vector_store %arg3[%swap3A_306, %swap3A_307, %swap3A_308], %swap3A_311 {strides = array<i32>} : memref<27x400x128xf32, #tpu.memory_space<vmem>>, vector<1x400x128xf32>,
    %get3A_312 = arith.constant 24 : index
    %get3A_313 = arith.constant 0 : index
    %get3A_314 = arith.constant 0 : index
    %get3A_315 = vector.load %arg2[%get3A_312, %get3A_313, %get3A_314] : memref<27x128x128xf32, #tpu.memory_space<vmem>>, vector<1x128x128xf32>
    %get3A_316 = vector.shape_cast %get3A_315 : vector<1x128x128xf32> to vector<128x128xf32>
    %dot_general3A_317 = arith.constant dense<0.000000e+00> : vector<400x128xf32>
    %dot_general3A_318 = tpu.matmul %get3A_1, %get3A_316, %dot_general3A_317 {dimension_numbers = #tpu.dot_dimension_numbers<[1], [0], [0], [1], [0, 0, 1, 1], [], []>, transpose_lhs_hint = false} : vector<400x128xf32>, vector<128x128xf32>, vector<400x128xf32> -> vector<400x128xf32>
    %swap3A_319 = arith.constant 24 : index
    %swap3A_320 = arith.constant 0 : index
    %swap3A_321 = arith.constant 0 : index
    %swap3A_322 = vector.load %arg3[%swap3A_319, %swap3A_320, %swap3A_321] : memref<27x400x128xf32, #tpu.memory_space<vmem>>, vector<1x400x128xf32>
    %swap3A_323 = vector.shape_cast %swap3A_322 : vector<1x400x128xf32> to vector<400x128xf32>
    %swap3A_324 = vector.shape_cast %dot_general3A_318 : vector<400x128xf32> to vector<1x400x128xf32>
    tpu.vector_store %arg3[%swap3A_319, %swap3A_320, %swap3A_321], %swap3A_324 {strides = array<i32>} : memref<27x400x128xf32, #tpu.memory_space<vmem>>, vector<1x400x128xf32>,
    %get3A_325 = arith.constant 25 : index
    %get3A_326 = arith.constant 0 : index
    %get3A_327 = arith.constant 0 : index
    %get3A_328 = vector.load %arg2[%get3A_325, %get3A_326, %get3A_327] : memref<27x128x128xf32, #tpu.memory_space<vmem>>, vector<1x128x128xf32>
    %get3A_329 = vector.shape_cast %get3A_328 : vector<1x128x128xf32> to vector<128x128xf32>
    %dot_general3A_330 = arith.constant dense<0.000000e+00> : vector<400x128xf32>
    %dot_general3A_331 = tpu.matmul %get3A_1, %get3A_329, %dot_general3A_330 {dimension_numbers = #tpu.dot_dimension_numbers<[1], [0], [0], [1], [0, 0, 1, 1], [], []>, transpose_lhs_hint = false} : vector<400x128xf32>, vector<128x128xf32>, vector<400x128xf32> -> vector<400x128xf32>
    %swap3A_332 = arith.constant 25 : index
    %swap3A_333 = arith.constant 0 : index
    %swap3A_334 = arith.constant 0 : index
    %swap3A_335 = vector.load %arg3[%swap3A_332, %swap3A_333, %swap3A_334] : memref<27x400x128xf32, #tpu.memory_space<vmem>>, vector<1x400x128xf32>
    %swap3A_336 = vector.shape_cast %swap3A_335 : vector<1x400x128xf32> to vector<400x128xf32>
    %swap3A_337 = vector.shape_cast %dot_general3A_331 : vector<400x128xf32> to vector<1x400x128xf32>
    tpu.vector_store %arg3[%swap3A_332, %swap3A_333, %swap3A_334], %swap3A_337 {strides = array<i32>} : memref<27x400x128xf32, #tpu.memory_space<vmem>>, vector<1x400x128xf32>,
    %get3A_338 = arith.constant 26 : index
    %get3A_339 = arith.constant 0 : index
    %get3A_340 = arith.constant 0 : index
    %get3A_341 = vector.load %arg2[%get3A_338, %get3A_339, %get3A_340] : memref<27x128x128xf32, #tpu.memory_space<vmem>>, vector<1x128x128xf32>
    %get3A_342 = vector.shape_cast %get3A_341 : vector<1x128x128xf32> to vector<128x128xf32>
    %dot_general3A_343 = arith.constant dense<0.000000e+00> : vector<400x128xf32>
    %dot_general3A_344 = tpu.matmul %get3A_1, %get3A_342, %dot_general3A_343 {dimension_numbers = #tpu.dot_dimension_numbers<[1], [0], [0], [1], [0, 0, 1, 1], [], []>, transpose_lhs_hint = false} : vector<400x128xf32>, vector<128x128xf32>, vector<400x128xf32> -> vector<400x128xf32>
    %swap3A_345 = arith.constant 26 : index
    %swap3A_346 = arith.constant 0 : index
    %swap3A_347 = arith.constant 0 : index
    %swap3A_348 = vector.load %arg3[%swap3A_345, %swap3A_346, %swap3A_347] : memref<27x400x128xf32, #tpu.memory_space<vmem>>, vector<1x400x128xf32>
    %swap3A_349 = vector.shape_cast %swap3A_348 : vector<1x400x128xf32> to vector<400x128xf32>
    %swap3A_350 = vector.shape_cast %dot_general3A_344 : vector<400x128xf32> to vector<1x400x128xf32>
    tpu.vector_store %arg3[%swap3A_345, %swap3A_346, %swap3A_347], %swap3A_350 {strides = array<i32>} : memref<27x400x128xf32, #tpu.memory_space<vmem>>, vector<1x400x128xf32>,
    return
  }
  func.func @transform_0(%arg0: i32) -> (i32, i32) {
    %c0_i32 = arith.constant 0 : i32
    %c0_i32_0 = arith.constant 0 : i32
    return %arg0, %c0_i32 : i32, i32
  }
  func.func @transform_1(%arg0: i32) -> (i32, i32, i32) {
    %c0_i32 = arith.constant 0 : i32
    %c0_i32_0 = arith.constant 0 : i32
    %c0_i32_1 = arith.constant 0 : i32
    %c0_i32_2 = arith.constant 0 : i32
    return %c0_i32, %c0_i32_0, %c0_i32_1 : i32, i32, i32
  }
  func.func @transform_2(%arg0: i32) -> (i32, i32, i32) {
    %c0_i32 = arith.constant 0 : i32
    %c0_i32_0 = arith.constant 0 : i32
    %c0_i32_1 = arith.constant 0 : i32
    return %c0_i32, %arg0, %c0_i32_0 : i32, i32, i32
  }
}

module attributes {stable_mosaic.version = 14 : i64} {
  func.func @_bn_mid_body(%arg0: memref<2x10000x128xf32, #tpu.memory_space<vmem>>, %arg1: memref<1x128xf32, #tpu.memory_space<vmem>>, %arg2: memref<1x128xf32, #tpu.memory_space<vmem>>, %arg3: memref<10000x128xf32, #tpu.memory_space<vmem>>) attributes {dimension_semantics = [], scalar_prefetch = 0 : i64, scratch_operands = 0 : i64, tpu.core_type = #tpu.core_type<tc>} {
    %get3A = arith.constant 0 : index
    %get3A_0 = arith.constant 0 : index
    %get3A_1 = arith.constant 0 : index
    %get3A_2 = vector.load %arg0[%get3A, %get3A_0, %get3A_1] : memref<2x10000x128xf32, #tpu.memory_space<vmem>>, vector<1x10000x128xf32>
    %get3A_3 = vector.shape_cast %get3A_2 : vector<1x10000x128xf32> to vector<10000x128xf32>
    %get3A_4 = arith.constant 1 : index
    %get3A_5 = arith.constant 0 : index
    %get3A_6 = arith.constant 0 : index
    %get3A_7 = vector.load %arg0[%get3A_4, %get3A_5, %get3A_6] : memref<2x10000x128xf32, #tpu.memory_space<vmem>>, vector<1x10000x128xf32>
    %get3A_8 = vector.shape_cast %get3A_7 : vector<1x10000x128xf32> to vector<10000x128xf32>
    %add3A = arith.addf %get3A_3, %get3A_8 : vector<10000x128xf32>
    %ge3A = arith.constant 0.000000e+00 : f32
    %ge3A_9 = vector.broadcast %ge3A : f32 to vector<10000x128xf32>
    %ge3A_10 = arith.cmpf oge, %add3A, %ge3A_9 : vector<10000x128xf32>
    %mul3A = arith.constant 0.00999999977 : f32
    %mul3A_11 = vector.broadcast %mul3A : f32 to vector<10000x128xf32>
    %mul3A_12 = arith.mulf %mul3A_11, %add3A : vector<10000x128xf32>
    %select_n3A = arith.select %ge3A_10, %add3A, %mul3A_12 : vector<10000x128xi1>, vector<10000x128xf32>
    %reduce_sum3A = arith.constant dense<0.000000e+00> : vector<128xf32>
    %reduce_sum3A_13 = vector.multi_reduction <add>, %select_n3A, %reduce_sum3A [0] : vector<10000x128xf32> to vector<128xf32>
    %broadcast_in_dim3A = vector.shape_cast %reduce_sum3A_13 : vector<128xf32> to vector<1x128xf32>
    %div3A = arith.constant 1.000000e+04 : f32
    %div3A_14 = vector.broadcast %div3A : f32 to vector<1x128xf32>
    %div3A_15 = arith.divf %broadcast_in_dim3A, %div3A_14 : vector<1x128xf32>
    %sub3A = vector.broadcast %div3A_15 : vector<1x128xf32> to vector<10000x128xf32>
    %sub3A_16 = arith.subf %select_n3A, %sub3A : vector<10000x128xf32>
    %mul3A_17 = arith.mulf %sub3A_16, %sub3A_16 : vector<10000x128xf32>
    %reduce_sum3A_18 = arith.constant dense<0.000000e+00> : vector<128xf32>
    %reduce_sum3A_19 = vector.multi_reduction <add>, %mul3A_17, %reduce_sum3A_18 [0] : vector<10000x128xf32> to vector<128xf32>
    %broadcast_in_dim3A_20 = vector.shape_cast %reduce_sum3A_19 : vector<128xf32> to vector<1x128xf32>
    %div3A_21 = arith.constant 1.000000e+04 : f32
    %div3A_22 = vector.broadcast %div3A_21 : f32 to vector<1x128xf32>
    %div3A_23 = arith.divf %broadcast_in_dim3A_20, %div3A_22 : vector<1x128xf32>
    %get3A_24 = arith.constant 0 : index
    %get3A_25 = arith.constant 0 : index
    %get3A_26 = vector.load %arg1[%get3A_24, %get3A_25] : memref<1x128xf32, #tpu.memory_space<vmem>>, vector<1x128xf32>
    %mul3A_27 = vector.broadcast %get3A_26 : vector<1x128xf32> to vector<10000x128xf32>
    %mul3A_28 = arith.mulf %mul3A_27, %sub3A_16 : vector<10000x128xf32>
    %add3A_29 = arith.constant 9.99999974E-6 : f32
    %add3A_30 = vector.broadcast %add3A_29 : f32 to vector<1x128xf32>
    %add3A_31 = arith.addf %div3A_23, %add3A_30 : vector<1x128xf32>
    %sqrt3A = math.sqrt %add3A_31 : vector<1x128xf32>
    %div3A_32 = vector.broadcast %sqrt3A : vector<1x128xf32> to vector<10000x128xf32>
    %div3A_33 = arith.divf %mul3A_28, %div3A_32 : vector<10000x128xf32>
    %get3A_34 = arith.constant 0 : index
    %get3A_35 = arith.constant 0 : index
    %get3A_36 = vector.load %arg2[%get3A_34, %get3A_35] : memref<1x128xf32, #tpu.memory_space<vmem>>, vector<1x128xf32>
    %add3A_37 = vector.broadcast %get3A_36 : vector<1x128xf32> to vector<10000x128xf32>
    %add3A_38 = arith.addf %div3A_33, %add3A_37 : vector<10000x128xf32>
    %swap3A = arith.constant 0 : index
    %swap3A_39 = arith.constant 0 : index
    %swap3A_40 = vector.load %arg3[%swap3A, %swap3A_39] : memref<10000x128xf32, #tpu.memory_space<vmem>>, vector<10000x128xf32>
    tpu.vector_store %arg3[%swap3A, %swap3A_39], %add3A_38 {strides = array<i32>} : memref<10000x128xf32, #tpu.memory_space<vmem>>, vector<10000x128xf32>,
    return
  }
}

module attributes {stable_mosaic.version = 14 : i64} {
  func.func @_bn_fin_body(%arg0: memref<2x10000x128xf32, #tpu.memory_space<vmem>>, %arg1: memref<10000x128xf32, #tpu.memory_space<vmem>>, %arg2: memref<1x128xf32, #tpu.memory_space<vmem>>, %arg3: memref<1x128xf32, #tpu.memory_space<vmem>>, %arg4: memref<10000x128xf32, #tpu.memory_space<vmem>>) attributes {dimension_semantics = [], scalar_prefetch = 0 : i64, scratch_operands = 0 : i64, tpu.core_type = #tpu.core_type<tc>} {
    %get3A = arith.constant 0 : index
    %get3A_0 = arith.constant 0 : index
    %get3A_1 = arith.constant 0 : index
    %get3A_2 = vector.load %arg0[%get3A, %get3A_0, %get3A_1] : memref<2x10000x128xf32, #tpu.memory_space<vmem>>, vector<1x10000x128xf32>
    %get3A_3 = vector.shape_cast %get3A_2 : vector<1x10000x128xf32> to vector<10000x128xf32>
    %get3A_4 = arith.constant 1 : index
    %get3A_5 = arith.constant 0 : index
    %get3A_6 = arith.constant 0 : index
    %get3A_7 = vector.load %arg0[%get3A_4, %get3A_5, %get3A_6] : memref<2x10000x128xf32, #tpu.memory_space<vmem>>, vector<1x10000x128xf32>
    %get3A_8 = vector.shape_cast %get3A_7 : vector<1x10000x128xf32> to vector<10000x128xf32>
    %add3A = arith.addf %get3A_3, %get3A_8 : vector<10000x128xf32>
    %get3A_9 = arith.constant 0 : index
    %get3A_10 = arith.constant 0 : index
    %get3A_11 = vector.load %arg1[%get3A_9, %get3A_10] : memref<10000x128xf32, #tpu.memory_space<vmem>>, vector<10000x128xf32>
    %add3A_12 = arith.addf %add3A, %get3A_11 : vector<10000x128xf32>
    %reduce_sum3A = arith.constant dense<0.000000e+00> : vector<128xf32>
    %reduce_sum3A_13 = vector.multi_reduction <add>, %add3A_12, %reduce_sum3A [0] : vector<10000x128xf32> to vector<128xf32>
    %broadcast_in_dim3A = vector.shape_cast %reduce_sum3A_13 : vector<128xf32> to vector<1x128xf32>
    %div3A = arith.constant 1.000000e+04 : f32
    %div3A_14 = vector.broadcast %div3A : f32 to vector<1x128xf32>
    %div3A_15 = arith.divf %broadcast_in_dim3A, %div3A_14 : vector<1x128xf32>
    %sub3A = vector.broadcast %div3A_15 : vector<1x128xf32> to vector<10000x128xf32>
    %sub3A_16 = arith.subf %add3A_12, %sub3A : vector<10000x128xf32>
    %mul3A = arith.mulf %sub3A_16, %sub3A_16 : vector<10000x128xf32>
    %reduce_sum3A_17 = arith.constant dense<0.000000e+00> : vector<128xf32>
    %reduce_sum3A_18 = vector.multi_reduction <add>, %mul3A, %reduce_sum3A_17 [0] : vector<10000x128xf32> to vector<128xf32>
    %broadcast_in_dim3A_19 = vector.shape_cast %reduce_sum3A_18 : vector<128xf32> to vector<1x128xf32>
    %div3A_20 = arith.constant 1.000000e+04 : f32
    %div3A_21 = vector.broadcast %div3A_20 : f32 to vector<1x128xf32>
    %div3A_22 = arith.divf %broadcast_in_dim3A_19, %div3A_21 : vector<1x128xf32>
    %get3A_23 = arith.constant 0 : index
    %get3A_24 = arith.constant 0 : index
    %get3A_25 = vector.load %arg2[%get3A_23, %get3A_24] : memref<1x128xf32, #tpu.memory_space<vmem>>, vector<1x128xf32>
    %mul3A_26 = vector.broadcast %get3A_25 : vector<1x128xf32> to vector<10000x128xf32>
    %mul3A_27 = arith.mulf %mul3A_26, %sub3A_16 : vector<10000x128xf32>
    %add3A_28 = arith.constant 9.99999974E-6 : f32
    %add3A_29 = vector.broadcast %add3A_28 : f32 to vector<1x128xf32>
    %add3A_30 = arith.addf %div3A_22, %add3A_29 : vector<1x128xf32>
    %sqrt3A = math.sqrt %add3A_30 : vector<1x128xf32>
    %div3A_31 = vector.broadcast %sqrt3A : vector<1x128xf32> to vector<10000x128xf32>
    %div3A_32 = arith.divf %mul3A_27, %div3A_31 : vector<10000x128xf32>
    %get3A_33 = arith.constant 0 : index
    %get3A_34 = arith.constant 0 : index
    %get3A_35 = vector.load %arg3[%get3A_33, %get3A_34] : memref<1x128xf32, #tpu.memory_space<vmem>>, vector<1x128xf32>
    %add3A_36 = vector.broadcast %get3A_35 : vector<1x128xf32> to vector<10000x128xf32>
    %add3A_37 = arith.addf %div3A_32, %add3A_36 : vector<10000x128xf32>
    %swap3A = arith.constant 0 : index
    %swap3A_38 = arith.constant 0 : index
    %swap3A_39 = vector.load %arg4[%swap3A, %swap3A_38] : memref<10000x128xf32, #tpu.memory_space<vmem>>, vector<10000x128xf32>
    tpu.vector_store %arg4[%swap3A, %swap3A_38], %add3A_37 {strides = array<i32>} : memref<10000x128xf32, #tpu.memory_space<vmem>>, vector<10000x128xf32>,
    return
  }
}

</mosaic_0001>

<sc_bundles>
// kernel: kernel.11.cloned.1.call-start
scs
__scs_entry_jumppad:
0x0: {  	(pc) =	sbr.rel $0x88, $3  }
0x1: {  	(tag) =	ssettag $0x0;
	lr =	simm.s32 $0x1  }
0x2: {  	[smem:$0x3F96] =	sst lr;
	_ =	strace $0xD0000000  }
0x3: {  	_ = 	snop  }
0x4: {  	_ = 	snop  }
0x5: {  	_ = 	snop  }
0x6: {  	_ = 	snop  }
0x7: {  	_ = 	snop  }
__scs_overlays_trampoline_lowered:
0x8: {  	[smem:$0x3FA5] =	sst s0  }
0x9: {  	[smem:$0x3FA6] =	sst s1  }
0xa: {  	[smem:$0x3FA7] =	sst s2  }
0xb: {  	[smem:$0x3FA8] =	sst s3  }
0xc: {  	[smem:$0x3FA9] =	sst s4  }
0xd: {  	[smem:$0x3FAA] =	sst s5  }
0xe: {  	[smem:$0x3FAB] =	sst s6  }
0xf: {  	[smem:$0x3FAC] =	sst s7  }
0x10: {  	[smem:$0x3FAD] =	sst s8  }
0x11: {  	[smem:$0x3FAE] =	sst s9;
	s0 =	simm.s32 @!p0 $0x0  }
0x12: {  	s1 =	sld [smem:$0x3F94];
	s0 =	simm.s32 @p0 $0x1  }
0x13: {  	[smem:$0x3FAF] =	sst s0;
	s0 =	simm.s32 @!p1 $0x0  }
0x14: {  	s2 =	sld [smem:$0x3F93];
	s0 =	simm.s32 @p1 $0x1  }
0x15: {  	[smem:$0x3FB0] =	sst s0;
	s0 =	simm.s32 @!p2 $0x0  }
0x16: {  	s3 =	sld [smem:$0x3FDB];
	s0 =	simm.s32 @p2 $0x1  }
0x17: {  	s4 =	simm.s32 $0x1BF5;
	[smem:$0x3FB2] =	sst s0  }
0x18: {  	s0 =	sld [smem:$0x3F95];
	_ =	swait.ge [sflag:s4], $0x0  }
0x19: {  	s7 =	sld [smem:$0x3F96]  }
0x1a: {  	s8 =	sadd.s32 $0xFFFFE003, lr  }
0x1b: {  	s9 =	sadd.s32 $0xFFFFFEF7, lr;
	s5 =	simm.s32 $0xFFFFFFFF;
	p2 =	slt.u32 s8, $0xFFFFF086  }
0x1c: {  	p1 =	slt.u32 s9, $0xF7A;
	s5 =	simm.s32 @!p2 $0x0  }
0x1d: {  	s5 =	simm.s32 @p1 $0x1;
	p0 =	seq.s32 s7, s2  }
0x1e: {  	s7 =	smul.u32 @!p0 $0xF7A, s2;
	p2 =	seq.s32 @!p0 s5, $0x0  }
0x1f: {  	s9 =	smul.u32 $0xF7A, s1;
	s8 =	simm.s32 @!p0 $0x1BF5;
	p2 =	por !p2, p0  }
0x20: {  	[sflag:s8] =	ssyncset.s32 @!p0 $0xFFFFF086;
	s6 =	sadd.s32 @!p0 s3, s7;
	s7 =	simm.s32 @!p0 $0x108  }
0x21: {  	s3 =	sadd.s32 s3, s9;
	s6 =	sadd.s32 @!p0 $0x88, s6;
	s7 =	simm.s32 @p2 $0x1082  }
0x22: {  	[simem:s7], [sflag:s8] =	dma.local @!p0 [hbm:s6], $0xF7A  }
0x23: {  	s9 =	sor.u32 $0xD0000000, s2;
	s6 =	simm.s32 $0x108;
	_ =	swait.ge @!p0 [sflag:s8], $0x0  }
0x24: {  	s3 =	sadd.s32 $0x88, s3;
	s6 =	simm.s32 @!p1 $0x1082;
	[sflag:s4] =	ssyncset.s32 $0xFFFFF086  }
0x25: {  	[simem:s6], [sflag:s4] =	dma.local [hbm:s3], $0xF7A  }
0x26: {  	[smem:$0x3F96] =	sst s1;
	(tag) =	ssettag s2;
	_ =	strace s9  }
0x27: {  	s1 =	sld [smem:$0x3FA6]  }
0x28: {  	s2 =	sld [smem:$0x3FA7]  }
0x29: {  	s4 =	sld [smem:$0x3FA9]  }
0x2a: {  	p0 =	seq.s32 s5, $0x0;
	s5 =	sld [smem:$0x3FAA]  }
0x2b: {  	s6 =	sld [smem:$0x3FAB]  }
0x2c: {  	s7 =	sld [smem:$0x3FAC]  }
0x2d: {  	s3 =	simm.s32 $0x108;
	s8 =	sld [smem:$0x3FAD]  }
0x2e: {  	s3 =	simm.s32 @!p0 $0x1082;
	s9 =	sld [smem:$0x3FAE]  }
0x2f: {  	lr =	sadd.s32 s0, s3;
	s0 =	sld [smem:$0x3FA5]  }
0x30: {  	s3 =	sld [smem:$0x3FA8]  }
0x31: {  	[smem:$0x3FB1] =	sst s10  }
0x32: {  	s10 =	sld [smem:$0x3FAF];
	_ =	sdelay $0x3  }
0x33: {  	p0 =	seq.s32 s10, $0x1;
	s10 =	sld [smem:$0x3FB1];
	_ =	sdelay $0x3  }
0x34: {  	[smem:$0x3FB1] =	sst s10  }
0x35: {  	s10 =	sld [smem:$0x3FB0];
	_ =	sdelay $0x3  }
0x36: {  	p1 =	seq.s32 s10, $0x1;
	s10 =	sld [smem:$0x3FB1];
	_ =	sdelay $0x3  }
0x37: {  	[smem:$0x3FB1] =	sst s10  }
0x38: {  	s10 =	sld [smem:$0x3FB2]  }
0x39: {  	_ = 	snop;
	(pc) =	sbr.ind lr, $3  }
0x3a: {  	_ = 	snop  }
0x3b: {  	_ = 	snop  }
0x3c: {  	p2 =	seq.s32 s10, $0x1;
	s10 =	sld [smem:$0x3FB1]  }
0x3d: {  	_ =	shalt  }
0x3e: {  	_ =	shalt  }
0x3f: {  	_ =	shalt  }
0x40: {  	_ =	shalt  }
0x41: {  	_ =	shalt  }
0x42: {  	_ =	shalt  }
0x43: {  	_ =	shalt  }
0x44: {  	_ =	shalt  }
0x45: {  	_ =	shalt  }
0x46: {  	_ =	shalt  }
0x47: {  	_ =	shalt  }
0x48: {  	_ =	shalt  }
0x49: {  	_ =	shalt  }
0x4a: {  	_ =	shalt  }
0x4b: {  	_ =	shalt  }
0x4c: {  	_ =	shalt  }
0x4d: {  	_ =	shalt  }
0x4e: {  	_ =	shalt  }
0x4f: {  	_ =	shalt  }
0x50: {  	_ =	shalt  }
0x51: {  	_ =	shalt  }
0x52: {  	_ =	shalt  }
0x53: {  	_ =	shalt  }
0x54: {  	_ =	shalt  }
0x55: {  	_ =	shalt  }
0x56: {  	_ =	shalt  }
0x57: {  	_ =	shalt  }
0x58: {  	_ =	shalt  }
0x59: {  	_ =	shalt  }
0x5a: {  	_ =	shalt  }
0x5b: {  	_ =	shalt  }
0x5c: {  	_ =	shalt  }
0x5d: {  	_ =	shalt  }
0x5e: {  	_ =	shalt  }
0x5f: {  	_ =	shalt  }
0x60: {  	_ =	shalt  }
0x61: {  	_ =	shalt  }
0x62: {  	_ =	shalt  }
0x63: {  	_ =	shalt  }
0x64: {  	_ =	shalt  }
0x65: {  	_ =	shalt  }
0x66: {  	_ =	shalt  }
0x67: {  	_ =	shalt  }
0x68: {  	_ =	shalt  }
0x69: {  	_ =	shalt  }
0x6a: {  	_ =	shalt  }
0x6b: {  	_ =	shalt  }
0x6c: {  	_ =	shalt  }
0x6d: {  	_ =	shalt  }
0x6e: {  	_ =	shalt  }
0x6f: {  	_ =	shalt  }
0x70: {  	_ =	shalt  }
0x71: {  	_ =	shalt  }
0x72: {  	_ =	shalt  }
0x73: {  	_ =	shalt  }
0x74: {  	_ =	shalt  }
0x75: {  	_ =	shalt  }
0x76: {  	_ =	shalt  }
0x77: {  	_ =	shalt  }
0x78: {  	_ =	shalt  }
0x79: {  	_ =	shalt  }
0x7a: {  	_ =	shalt  }
0x7b: {  	_ =	shalt  }
0x7c: {  	_ =	shalt  }
0x7d: {  	_ =	shalt  }
0x7e: {  	_ =	shalt  }
0x7f: {  	_ =	shalt  }
0x80: {  	_ =	shalt  }
0x81: {  	_ =	shalt  }
0x82: {  	_ =	shalt  }
0x83: {  	_ =	shalt  }
0x84: {  	_ =	shalt  }
0x85: {  	_ =	shalt  }
0x86: {  	_ =	shalt  }
0x87: {  	_ =	shalt  }
.Lfunc_end0:
.L_simem_size_0:
called_computation.1_lowered:
.L_overlay_start_0:
0x88: {  	s2 =	sld [smem:$0x3FD9]  }
0x89: {  	s3 =	sld [smem:$0x3FFE];
	_ =	sdelay $0x1  }
0x8a: {  	s1 =	srdreg.scid  }
0x8b: {  	s0 =	sand.u32 $0x1, s1  }
0x8c: {  	s17 =	sshll.u32 s0, $0xA;
	s2 =	sadd.s32 s3, s2  }
0x8d: {  	s2 =	sadd.s32 s2, s17  }
0x8e: {  	[smem:$0x3FBD] =	sst s2  }
0x8f: {  	_ = 	snop  }
0x90: {  	s2 =	sld [smem:$0x3FD0];
	(tm) =	ssettm $0x1  }
0x91: {  	s18 =	sld [smem:$0x3FFB];
	_ =	sdelay $0x3  }
0x92: {  	_ =	strace s18  }
0x93: {  	s3 =	sld [smem:$0x3FFC];
	_ =	sdelay $0x3  }
0x94: {  	_ =	strace s3  }
0x95: {  	s3 =	sld [smem:$0x3FFD];
	_ =	sdelay $0x3  }
0x96: {  	_ =	strace s3  }
0x97: {  	_ =	strace $0x8FFFFFFF  }
0x98: {  	s19 =	sld [smem:$0x3FDB];
	_ =	sdelay $0x1  }
0x99: {  	s4 =	simm.s32 $_scs_section_size  }
0x9a: {  	s5 =	simm.s32 $_size__tile_overlayer_lowered;
	s6 =	simm.s32 $_tile_overlayer_lowered  }
0x9b: {  	s22 =	simm.s32 $0x1BFF;
	s21 =	sshll.u32 s6, $0x1;
	s3 =	sadd.s32 s4, s19  }
0x9c: {  	s7 =	simm.s32 $0x0;
	s20 =	sshll.u32 s5, $0x1;
	s5 =	sadd.s32 s21, s3  }
0x9d: {  	[timem:s7], [sflag:s22] =	dma.local [hbm:s5], s20  }
0x9e: {  	_ =	swait.ge [sflag:s22], s20  }
0x9f: {  	s4 =	ssub.s32 $0x0, s20;
	[sflag:s22] =	ssyncset.done $0x0  }
0xa0: {  	[sflag:s22] =	ssyncadd.s32 s4;
	_ =	sdelay $0x1  }
0xa1: {  	s23 =	simm.s32 $0x1B8B  }
0xa2: {  	_ =	swait.ge [sflag:s23], $0x1  }
0xa3: {  	[sflag:s23] =	ssyncset.done $0x0  }
0xa4: {  	s25 =	simm.s32 $0x1B8E;
	s24 =	sld [smem:$0x3FFE];
	[sflag:s23] =	ssyncadd.s32 $0xFFFFFFFF  }
0xa5: {  	s26 =	simm.s32 $execute0_lowered;
	[smem:$0x3FD2] =	sst s25  }
0xa6: {  	s5 =	sshll.u32 s26, $0x1;
	_ =	strace $0x80000049;
	[dreg:$0x1] =	wrdreg $0xFFFFFFFF  }
0xa7: {  	s28 =	simm.s32 $_size_execute0_lowered;
	s3 =	sadd.s32 s3, s5;
	[dreg:$0x0] =	wrdreg $0x0  }
0xa8: {  	s5 =	sshll.u32 s28, $0x1;
	[dreg:$0x2] =	wrdreg s3  }
0xa9: {  	[dreg:$0x3] =	wrdreg s5  }
0xaa: {  	[dreg:$0x4] =	wrdreg $0xC0  }
0xab: {  	_ =	task [dreg:s7], $0x5FFFF  }
0xac: {  	[dreg:$0x1] =	wrdreg $0xFFFFFFFF  }
0xad: {  	[dreg:$0x0] =	wrdreg $0x60  }
0xae: {  	[dreg:$0x2] =	wrdreg s24  }
0xaf: {  	[dreg:$0x3] =	wrdreg s2  }
0xb0: {  	[dreg:$0x4] =	wrdreg $0xBC000  }
0xb1: {  	[dreg:$0x5] =	wrdreg $0x9  }
0xb2: {  	_ =	task.clear_ibuf [dreg:s7], $0x6FFFF;
	_ =	strace $0x90000049  }
0xb3: {  	s29 =	simm.s32 $0x9;
	_ =	strace $0x8000004B  }
0xb4: {  	_ =	swait.ge [sflag:s29], $0x1  }
0xb5: {  	[sflag:s29] =	ssyncadd.s32 $0xFFFFFFFF  }
0xb6: {  	_ =	strace $0x9000004B  }
0xb7: {  	_ =	sfence  }
0xb8: {  	s30 =	sld [smem:$0x0];
	_ =	sdelay $0x2  }
0xb9: {  	s31 =	sshll.u32 s1, $0xD;
	s1 =	sshrl.u32 s1, $0x2  }
0xba: {  	s3 =	sand.u32 $0x4000, s31;
	s1 =	sadd.s32 s1, s30  }
0xbb: {  	s0 =	sor.u32 s3, s0;
	s1 =	sshll.u32 s1, $0x11  }
0xbc: {  	s0 =	sor.u32 s1, s0  }
0xbd: {  	s0 =	sadd.s32 $0x8F2B, s0  }
0xbe: {  	[sflag:s0] =	ssyncadd.remote.s32 $0x1  }
0xbf: {  	_ =	sfence.sel $0xFFFF  }
0xc0: {  	[dreg:$0x0] =	wrdreg $0xFFFFFFFF;
	(pc) =	sbr.abs _section_cstart, $3  }
0xc1: {  	[dreg:$0x1] =	wrdreg $0xFFFFFFFF  }
0xc2: {  	_ =	task.clear_ibuf [dreg:s7], $0x2FFFF;
	_ =	strace $0x9FFFFFFF  }
0xc3: {  	(tm) =	ssettm $0x7FFFFFFF  }
tec
execute0_lowered:
.L_overlay_start_1:
0x0: {  	(tag) =	ssettag $0x1  }
0x1: {  	s5 =	rddreg [dreg:$0x0]  }
0x2: {  	s0 =	srdreg.scid;
	s7 =	rddreg [dreg:$0x1]  }
0x3: {  	s2 =	rddreg [dreg:$0x2];
	s3 =	simm.s32 $0x0;
	s16 =	simm.s32 $0x80  }
0x4: {  	s17 =	simm.s32 $0x3C00;
	s6 =	sand.u32 $0x1, s0;
	s0 =	stileid.u32  }
0x5: {  	s18 =	simm.s32 $0x7C00;
	s19 =	simm.s32 $0x1;
	s9 =	smul.u32 $0x14000, s0  }
0x6: {  	s20 =	simm.s32 $0x0;
	[smem:$0x7FF] =	sst s3;
	s10 =	smul.u32 $0x140000, s6  }
0x7: {  	s1 =	sshll.u32 s6, $0x4;
	s6 =	ssub.s32 $0x2, s6;
	s13 =	smul.u32 $0x50000, s0  }
0x8: {  	s14 =	sshll.u32 s0, $0x6;
	s4 =	sor.u32 s0, s1;
	s1 =	rddreg [dreg:$0x3]  }
0x9: {  	_ =	strace $0x8000004A;
	s30 =	sshrl.u32 s6, $0x1;
	s14 =	sor.u32 $0x1C02, s14  }
0xa: {  	s8 =	smul.u32 $0x280, s4;
	s4 =	sadd.s32 $0xB200, s5;
	s12 =	sshrl.u32 s9, $0x3  }
0xb: {  	s9 =	sadd.s32 s9, s10;
	s10 =	ssub.s32 s6, s30;
	s31 =	sshrl.u32 s13, $0x2  }
0xc: {  	s13 =	simm.s32 $0x2800;
	s12 =	sadd.s32 s12, s5;
	s9 =	sshrl.u32 s9, $0x3  }
0xd: {  	s15 =	sadd.s32 s31, s2;
	s10 =	smax.u32 s10, $0x1;
	s11 =	sadd.s32 s8, s5  }
0xe: {  	s9 =	sadd.s32 s9, s5;
	s5 =	sadd.s32 s7, s8;
	s8 =	sadd.s32 $0x429E00, s12  }
0xf: {  	s12 =	simm.s32 $0x1400;
	s15 =	sshrl.u32 s15, $0x3;
	s6 =	sadd.s32 $0x4A1E00, s11  }
0x10: {  	s7 =	sadd.s32 $0x6200, s11;
	s9 =	sadd.s32 $0x451E00, s9;
	s11 =	simm.s32 $0x2  }
.LBB2_1:
0x11: {  	[tilespmem:s3], [sflag:$0x2] =	stream.linear.gather [hbm4b:s5+s3], $0x1400, $0x38;
	[tilespmem:$0x1FC00] =	vst v63  }
0x12: {  	_ =	swait.ge [sflag:s11], $0x1400  }
0x13: {  	[sflag:s11] =	ssyncset.done $0x0  }
0x14: {  	[sflag:s11] =	ssyncadd.s32 $0xFFFFEC00  }
0x15: {  	[tilespmem:s12], [sflag:$0x2] =	stream.linear.gather [hbm4b:s6+s3], $0x1400, $0x38;
	[tilespmem:$0x1FC00] =	vst v63  }
0x16: {  	_ =	swait.ge [sflag:s11], $0x1400  }
0x17: {  	[sflag:s11] =	ssyncset.done $0x0  }
0x18: {  	[sflag:s11] =	ssyncadd.s32 $0xFFFFEC00  }
0x19: {  	[tilespmem:s13], [sflag:$0x2] =	stream.linear.gather [hbm4b:s7+s3], $0x1400, $0x38;
	[tilespmem:$0x1FC00] =	vst v63  }
0x1a: {  	_ =	swait.ge [sflag:s11], $0x1400  }
0x1b: {  	[sflag:s11] =	ssyncset.done $0x0  }
0x1c: {  	[sflag:s11] =	ssyncadd.s32 $0xFFFFEC00  }
0x1d: {  	[spmem:s15], [sflag:s14] =	dma.local [hbm:s8], $0x2800  }
0x1e: {  	_ =	swait.ge [sflag:s11], $0x2800  }
0x1f: {  	[sflag:s11] =	ssyncset.done $0x0  }
0x20: {  	s21 =	simm.s32 $0x0;
	[sflag:s11] =	ssyncadd.s32 $0xFFFFD800  }
0x21: {  	v6 =	vld [tilespmem:s21+$0x1400]  }
0x22: {  	v11 =	vld [tilespmem:s21+$0x1410]  }
0x23: {  	v5 =	vld [tilespmem:s21+$0x1420]  }
0x24: {  	v4 =	vld [tilespmem:s21+$0x1430]  }
0x25: {  	v3 =	vld [tilespmem:s21+$0x1440]  }
0x26: {  	v2 =	vld [tilespmem:s21+$0x1450]  }
0x27: {  	v1 =	vld [tilespmem:s21+$0x1460]  }
0x28: {  	v0 =	vld [tilespmem:s21+$0x1470]  }
0x29: {  	v10 =	vld [tilespmem:s21+$0x0]  }
0x2a: {  	v9 =	vld [tilespmem:s21+$0x10]  }
0x2b: {  	v8 =	vld [tilespmem:s21+$0x20]  }
0x2c: {  	v7 =	vld [tilespmem:s21+$0x30];
	v12 =	vmul.u32 $0x2710, v6  }
0x2d: {  	s22 =	simm.s32 $0x200;
	v11 =	vmul.u32 $0x2710, v11;
	v6 =	vld [tilespmem:s21+$0x40]  }
.LBB2_2:
0x2e: {  	p0 =	sne.s32 s22, $0x4E00;
	v10 =	vadd.s32 v10, v12;
	v5 =	vmul.u32 $0x2710, v5;
	v12 =	vld [tilespmem:s21+$0x50]  }
0x2f: {  	v4 =	vmul.u32 $0x2710, v4;
	[tilespmem:s21+$0x0] =	vst v10;
	v9 =	vadd.s32 v9, v11;
	v10 =	vld [tilespmem:s21+$0x60]  }
0x30: {  	s23 =	sshra.s32 s22, $0x2;
	v3 =	vmul.u32 $0x2710, v3;
	[tilespmem:s21+$0x10] =	vst v9;
	v5 =	vadd.s32 v8, v5;
	v8 =	vld [tilespmem:s21+$0x70]  }
0x31: {  	v2 =	vmul.u32 $0x2710, v2;
	v11 =	vld [tilespmem:s23+$0x1400];
	[tilespmem:s21+$0x20] =	vst v5;
	v4 =	vadd.s32 v7, v4  }
0x32: {  	v1 =	vmul.u32 $0x2710, v1;
	v13 =	vld [tilespmem:s23+$0x1410];
	[tilespmem:s21+$0x30] =	vst v4;
	v3 =	vadd.s32 v6, v3  }
0x33: {  	v0 =	vmul.u32 $0x2710, v0;
	v5 =	vld [tilespmem:s23+$0x1420];
	[tilespmem:s21+$0x40] =	vst v3;
	v2 =	vadd.s32 v12, v2  }
0x34: {  	v4 =	vld [tilespmem:s23+$0x1430];
	[tilespmem:s21+$0x50] =	vst v2;
	v1 =	vadd.s32 v10, v1  }
0x35: {  	v3 =	vld [tilespmem:s23+$0x1440];
	[tilespmem:s21+$0x60] =	vst v1;
	v0 =	vadd.s32 v8, v0  }
0x36: {  	v2 =	vld [tilespmem:s23+$0x1450];
	[tilespmem:s21+$0x70] =	vst v0;
	s21 =	smov.u32 s23  }
0x37: {  	v1 =	vld [tilespmem:s21+$0x1460]  }
0x38: {  	v0 =	vld [tilespmem:s21+$0x1470]  }
.Ltmp0:
0x39: {  	v10 =	vld [tilespmem:s21+$0x0];
	(pc) =	sbr.rel @p0 .LBB2_2-.Ltmp0, $4  }
0x3a: {  	v9 =	vld [tilespmem:s21+$0x10]  }
0x3b: {  	v8 =	vld [tilespmem:s21+$0x20]  }
0x3c: {  	v12 =	vmul.u32 $0x2710, v11;
	v7 =	vld [tilespmem:s21+$0x30]  }
0x3d: {  	s22 =	sadd.s32 $0x200, s22;
	v11 =	vmul.u32 $0x2710, v13;
	v6 =	vld [tilespmem:s21+$0x40]  }
0x3e: {  	v10 =	vadd.s32 v10, v12;
	v61 =	vld [tilespmem:s21+$0x50];
	v5 =	vmul.u32 $0x2710, v5  }
0x3f: {  	v62 =	vld [tilespmem:s21+$0x60];
	v4 =	vmul.u32 $0x2710, v4;
	[tilespmem:s21+$0x0] =	vst v10;
	v9 =	vadd.s32 v9, v11  }
0x40: {  	v3 =	vmul.u32 $0x2710, v3;
	v63 =	vld [tilespmem:s21+$0x70];
	[tilespmem:s21+$0x10] =	vst v9;
	v5 =	vadd.s32 v8, v5  }
0x41: {  	v2 =	vmul.u32 $0x2710, v2;
	[tilespmem:s21+$0x20] =	vst v5;
	v4 =	vadd.s32 v7, v4  }
0x42: {  	v1 =	vmul.u32 $0x2710, v1;
	[tilespmem:s21+$0x30] =	vst v4;
	v3 =	vadd.s32 v6, v3  }
0x43: {  	v0 =	vmul.u32 $0x2710, v0;
	[tilespmem:s21+$0x40] =	vst v3;
	v2 =	vadd.s32 v61, v2  }
0x44: {  	v1 =	vadd.s32 v62, v1;
	[tilespmem:s21+$0x50] =	vst v2  }
0x45: {  	v0 =	vadd.s32 v63, v0;
	[tilespmem:s21+$0x60] =	vst v1  }
0x46: {  	[tilespmem:s21+$0x70] =	vst v0  }
0x47: {  	s31 =	simm.s32 $0x0;
	[bflag:$0x0] =	sbarrier.arrive $0xFFFF  }
0x48: {  	[tilespmem:s17], [sflag:$0x1] =	stream.indirect.gather [hbm4b:s4+s16], $0x80, s31, s16, $0xb8;
	[tilespmem:$0x1FC00] =	vst v63  }
0x49: {  	_ = 	snop  }
0x4a: {  	[tilespmem:s18], [sflag:$0x1] =	stream.indirect.gather [hbm4b:s4+s16], $0x80, s16, s16, $0xb8;
	[tilespmem:$0x1FC00] =	vst v63  }
0x4b: {  	s22 =	sand.u32 $0x10000, s31;
	_ =	swait.ge [sflag:s19], $0x4000  }
0x4c: {  	s23 =	simm.s32 $0x2800;
	s22 =	sshrl.u32 s22, $0x2;
	[sflag:s19] =	ssyncset.done $0x0  }
0x4d: {  	p1 =	por $0x0, $0x0;
	s25 =	sor.u32 $0x3C00, s22;
	[sflag:s19] =	ssyncadd.s32 $0xFFFFC000  }
0x4e: {  	[spmem:s2] =	stream.indirect.scatter.add.f32 [tilespmem:s25], [sflag:$0x2], $0x80, s23, s16, $0xb8;
	[tilespmem:$0x1FC00] =	vst v63  }
0x4f: {  	s24 =	simm.s32 $0x2880;
	s26 =	simm.s32 $0x180;
	_ =	swait.ge [sflag:s11], $0x4000  }
0x50: {  	s28 =	simm.s32 @!p1 $0x80;
	s22 =	simm.s32 $0x1;
	[sflag:s11] =	ssyncset.done $0x0  }
0x51: {  	s21 =	simm.s32 $0x100;
	s23 =	simm.s32 $0x10000;
	[sflag:s11] =	ssyncadd.s32 $0xFFFFC000  }
.LBB2_4:
0x52: {  	[tilespmem:s25], [sflag:$0x1] =	stream.indirect.gather @!p1 [hbm4b:s4+s28], $0x80, s21, s28, $0xb8;
	[tilespmem:$0x1FC00] =	vst v63  }
0x53: {  	s28 =	smov.u32 s22;
	s21 =	smov.u32 s26  }
0x54: {  	s25 =	sand.u32 $0x10000, s23;
	s22 =	sadd.s32 $0x1, s22;
	_ =	swait.ge [sflag:s19], $0x4000  }
0x55: {  	s25 =	sshrl.u32 s25, $0x2;
	p0 =	sne.s32 s22, $0x28;
	[sflag:s19] =	ssyncset.done $0x0  }
.Ltmp1:
0x56: {  	s25 =	sor.u32 $0x3C00, s25;
	[sflag:s19] =	ssyncadd.s32 $0xFFFFC000;
	(pc) =	sbr.rel @p0 .LBB2_4-.Ltmp1, $4  }
0x57: {  	[spmem:s2] =	stream.indirect.scatter.add.f32 [tilespmem:s25], [sflag:$0x2], $0x80, s24, s16, $0xb8;
	[tilespmem:$0x1FC00] =	vst v63  }
0x58: {  	s23 =	sadd.s32 $0x10000, s23;
	_ =	swait.ge [sflag:s11], $0x4000  }
0x59: {  	p1 =	sgt.u32 s28, $0x25;
	s24 =	sadd.s32 $0x80, s24;
	[sflag:s11] =	ssyncset.done $0x0  }
0x5a: {  	s26 =	sadd.s32 $0x80, s26;
	s28 =	simm.s32 @!p1 $0x80;
	[sflag:s11] =	ssyncadd.s32 $0xFFFFC000  }
0x5b: {  	[tilespmem:s25], [sflag:$0x1] =	stream.indirect.gather @!p1 [hbm4b:s4+s28], $0x80, s21, s28, $0xb8;
	[tilespmem:$0x1FC00] =	vst v63  }
0x5c: {  	s20 =	sadd.s32 $0x1, s20  }
0x5d: {  	p0 =	sne.s32 s20, s10  }
.Ltmp2:
0x5e: {  	[bflag:$0x0] =	sbarrier.arrive $0xFFFF;
	(pc) =	sbr.rel @p0 .LBB2_1-.Ltmp2, $4  }
0x5f: {  	[hbm:s9], [sflag:s14] =	dma.local [spmem:s15], $0x2800  }
0x60: {  	_ =	swait.ge [sflag:s11], $0x2800  }
0x61: {  	[sflag:s11] =	ssyncset.done $0x0  }
0x62: {  	[sflag:s11] =	ssyncadd.s32 $0xFFFFD800  }
0x63: {  	_ =	sfence.sel $0x180000  }
0x64: {  	[bflag:$0x0] =	sbarrier.arrive $0xFFFF  }
0x65: {  	p0 =	sne.s32 s0, $0x0;
	_ =	strace $0x9000004A  }
0x66: {  	s0 =	sadd.s32 @!p0 $0x100000, s1;
	[bflag:$0x2] =	sbarrier.arrive $0xFFFF  }
0x67: {  	[sflag:s0] =	ssyncadd.tile.s32 @!p0 $0x1;
	_ =	shalt  }
.Lfunc_end2:
_tile_overlayer_lowered:
.L_overlay_start_2:
0x68: {  	(tag) =	ssettag $0x2  }
0x69: {  	s0 =	rddreg [dreg:$0x0];
	s2 =	stileid.u32  }
0x6a: {  	s1 =	rddreg [dreg:$0x1];
	p0 =	sne.s32 s2, $0x0  }
0x6b: {  	s3 =	rddreg [dreg:$0x2];
	[bflag:$0x3] =	sbarrier.arrive $0xFFFF;
	s2 =	simm.s32 @!p0 $0x1C02  }
0x6c: {  	[timem:s3], [sflag:s2] =	dma.local @!p0 [hbm:s0], s1  }
0x6d: {  	s0 =	simm.s32 @!p0 $0x2  }
0x6e: {  	_ =	swait.ge @!p0 [sflag:s0], s1  }
0x6f: {  	s1 =	ssub.s32 @!p0 $0x0, s1;
	[sflag:s0] =	ssyncset.done @!p0 $0x0  }
0x70: {  	[sflag:s0] =	ssyncadd.s32 @!p0 s1  }
0x71: {  	[bflag:$0x3] =	sbarrier.arrive $0xFFFF  }
0x72: {  	_ =	shalt  }

// kernel: kernel.8.cloned.1.call-start
scs
__scs_entry_jumppad:
0x0: {  	(pc) =	sbr.rel $0x88, $3  }
0x1: {  	(tag) =	ssettag $0x0;
	lr =	simm.s32 $0x1  }
0x2: {  	[smem:$0x3F96] =	sst lr;
	_ =	strace $0xD0000000  }
0x3: {  	_ = 	snop  }
0x4: {  	_ = 	snop  }
0x5: {  	_ = 	snop  }
0x6: {  	_ = 	snop  }
0x7: {  	_ = 	snop  }
__scs_overlays_trampoline_lowered:
0x8: {  	[smem:$0x3FA5] =	sst s0  }
0x9: {  	[smem:$0x3FA6] =	sst s1  }
0xa: {  	[smem:$0x3FA7] =	sst s2  }
0xb: {  	[smem:$0x3FA8] =	sst s3  }
0xc: {  	[smem:$0x3FA9] =	sst s4  }
0xd: {  	[smem:$0x3FAA] =	sst s5  }
0xe: {  	[smem:$0x3FAB] =	sst s6  }
0xf: {  	[smem:$0x3FAC] =	sst s7  }
0x10: {  	[smem:$0x3FAD] =	sst s8  }
0x11: {  	[smem:$0x3FAE] =	sst s9;
	s0 =	simm.s32 @!p0 $0x0  }
0x12: {  	s1 =	sld [smem:$0x3F94];
	s0 =	simm.s32 @p0 $0x1  }
0x13: {  	[smem:$0x3FAF] =	sst s0;
	s0 =	simm.s32 @!p1 $0x0  }
0x14: {  	s2 =	sld [smem:$0x3F93];
	s0 =	simm.s32 @p1 $0x1  }
0x15: {  	[smem:$0x3FB0] =	sst s0;
	s0 =	simm.s32 @!p2 $0x0  }
0x16: {  	s3 =	sld [smem:$0x3FDB];
	s0 =	simm.s32 @p2 $0x1  }
0x17: {  	s4 =	simm.s32 $0x1BF5;
	[smem:$0x3FB2] =	sst s0  }
0x18: {  	s0 =	sld [smem:$0x3F95];
	_ =	swait.ge [sflag:s4], $0x0  }
0x19: {  	s7 =	sld [smem:$0x3F96]  }
0x1a: {  	s8 =	sadd.s32 $0xFFFFE003, lr  }
0x1b: {  	s9 =	sadd.s32 $0xFFFFFEF7, lr;
	s5 =	simm.s32 $0xFFFFFFFF;
	p2 =	slt.u32 s8, $0xFFFFF086  }
0x1c: {  	p1 =	slt.u32 s9, $0xF7A;
	s5 =	simm.s32 @!p2 $0x0  }
0x1d: {  	s5 =	simm.s32 @p1 $0x1;
	p0 =	seq.s32 s7, s2  }
0x1e: {  	s7 =	smul.u32 @!p0 $0xF7A, s2;
	p2 =	seq.s32 @!p0 s5, $0x0  }
0x1f: {  	s9 =	smul.u32 $0xF7A, s1;
	s8 =	simm.s32 @!p0 $0x1BF5;
	p2 =	por !p2, p0  }
0x20: {  	[sflag:s8] =	ssyncset.s32 @!p0 $0xFFFFF086;
	s6 =	sadd.s32 @!p0 s3, s7;
	s7 =	simm.s32 @!p0 $0x108  }
0x21: {  	s3 =	sadd.s32 s3, s9;
	s6 =	sadd.s32 @!p0 $0x88, s6;
	s7 =	simm.s32 @p2 $0x1082  }
0x22: {  	[simem:s7], [sflag:s8] =	dma.local @!p0 [hbm:s6], $0xF7A  }
0x23: {  	s9 =	sor.u32 $0xD0000000, s2;
	s6 =	simm.s32 $0x108;
	_ =	swait.ge @!p0 [sflag:s8], $0x0  }
0x24: {  	s3 =	sadd.s32 $0x88, s3;
	s6 =	simm.s32 @!p1 $0x1082;
	[sflag:s4] =	ssyncset.s32 $0xFFFFF086  }
0x25: {  	[simem:s6], [sflag:s4] =	dma.local [hbm:s3], $0xF7A  }
0x26: {  	[smem:$0x3F96] =	sst s1;
	(tag) =	ssettag s2;
	_ =	strace s9  }
0x27: {  	s1 =	sld [smem:$0x3FA6]  }
0x28: {  	s2 =	sld [smem:$0x3FA7]  }
0x29: {  	s4 =	sld [smem:$0x3FA9]  }
0x2a: {  	p0 =	seq.s32 s5, $0x0;
	s5 =	sld [smem:$0x3FAA]  }
0x2b: {  	s6 =	sld [smem:$0x3FAB]  }
0x2c: {  	s7 =	sld [smem:$0x3FAC]  }
0x2d: {  	s3 =	simm.s32 $0x108;
	s8 =	sld [smem:$0x3FAD]  }
0x2e: {  	s3 =	simm.s32 @!p0 $0x1082;
	s9 =	sld [smem:$0x3FAE]  }
0x2f: {  	lr =	sadd.s32 s0, s3;
	s0 =	sld [smem:$0x3FA5]  }
0x30: {  	s3 =	sld [smem:$0x3FA8]  }
0x31: {  	[smem:$0x3FB1] =	sst s10  }
0x32: {  	s10 =	sld [smem:$0x3FAF];
	_ =	sdelay $0x3  }
0x33: {  	p0 =	seq.s32 s10, $0x1;
	s10 =	sld [smem:$0x3FB1];
	_ =	sdelay $0x3  }
0x34: {  	[smem:$0x3FB1] =	sst s10  }
0x35: {  	s10 =	sld [smem:$0x3FB0];
	_ =	sdelay $0x3  }
0x36: {  	p1 =	seq.s32 s10, $0x1;
	s10 =	sld [smem:$0x3FB1];
	_ =	sdelay $0x3  }
0x37: {  	[smem:$0x3FB1] =	sst s10  }
0x38: {  	s10 =	sld [smem:$0x3FB2]  }
0x39: {  	_ = 	snop;
	(pc) =	sbr.ind lr, $3  }
0x3a: {  	_ = 	snop  }
0x3b: {  	_ = 	snop  }
0x3c: {  	p2 =	seq.s32 s10, $0x1;
	s10 =	sld [smem:$0x3FB1]  }
0x3d: {  	_ =	shalt  }
0x3e: {  	_ =	shalt  }
0x3f: {  	_ =	shalt  }
0x40: {  	_ =	shalt  }
0x41: {  	_ =	shalt  }
0x42: {  	_ =	shalt  }
0x43: {  	_ =	shalt  }
0x44: {  	_ =	shalt  }
0x45: {  	_ =	shalt  }
0x46: {  	_ =	shalt  }
0x47: {  	_ =	shalt  }
0x48: {  	_ =	shalt  }
0x49: {  	_ =	shalt  }
0x4a: {  	_ =	shalt  }
0x4b: {  	_ =	shalt  }
0x4c: {  	_ =	shalt  }
0x4d: {  	_ =	shalt  }
0x4e: {  	_ =	shalt  }
0x4f: {  	_ =	shalt  }
0x50: {  	_ =	shalt  }
0x51: {  	_ =	shalt  }
0x52: {  	_ =	shalt  }
0x53: {  	_ =	shalt  }
0x54: {  	_ =	shalt  }
0x55: {  	_ =	shalt  }
0x56: {  	_ =	shalt  }
0x57: {  	_ =	shalt  }
0x58: {  	_ =	shalt  }
0x59: {  	_ =	shalt  }
0x5a: {  	_ =	shalt  }
0x5b: {  	_ =	shalt  }
0x5c: {  	_ =	shalt  }
0x5d: {  	_ =	shalt  }
0x5e: {  	_ =	shalt  }
0x5f: {  	_ =	shalt  }
0x60: {  	_ =	shalt  }
0x61: {  	_ =	shalt  }
0x62: {  	_ =	shalt  }
0x63: {  	_ =	shalt  }
0x64: {  	_ =	shalt  }
0x65: {  	_ =	shalt  }
0x66: {  	_ =	shalt  }
0x67: {  	_ =	shalt  }
0x68: {  	_ =	shalt  }
0x69: {  	_ =	shalt  }
0x6a: {  	_ =	shalt  }
0x6b: {  	_ =	shalt  }
0x6c: {  	_ =	shalt  }
0x6d: {  	_ =	shalt  }
0x6e: {  	_ =	shalt  }
0x6f: {  	_ =	shalt  }
0x70: {  	_ =	shalt  }
0x71: {  	_ =	shalt  }
0x72: {  	_ =	shalt  }
0x73: {  	_ =	shalt  }
0x74: {  	_ =	shalt  }
0x75: {  	_ =	shalt  }
0x76: {  	_ =	shalt  }
0x77: {  	_ =	shalt  }
0x78: {  	_ =	shalt  }
0x79: {  	_ =	shalt  }
0x7a: {  	_ =	shalt  }
0x7b: {  	_ =	shalt  }
0x7c: {  	_ =	shalt  }
0x7d: {  	_ =	shalt  }
0x7e: {  	_ =	shalt  }
0x7f: {  	_ =	shalt  }
0x80: {  	_ =	shalt  }
0x81: {  	_ =	shalt  }
0x82: {  	_ =	shalt  }
0x83: {  	_ =	shalt  }
0x84: {  	_ =	shalt  }
0x85: {  	_ =	shalt  }
0x86: {  	_ =	shalt  }
0x87: {  	_ =	shalt  }
.Lfunc_end0:
.L_simem_size_0:
called_computation_lowered:
.L_overlay_start_0:
0x88: {  	s2 =	sld [smem:$0x3FD9]  }
0x89: {  	s3 =	sld [smem:$0x3FFE];
	_ =	sdelay $0x1  }
0x8a: {  	s1 =	srdreg.scid  }
0x8b: {  	s0 =	sand.u32 $0x1, s1  }
0x8c: {  	s17 =	sshll.u32 s0, $0xA;
	s2 =	sadd.s32 s3, s2  }
0x8d: {  	s2 =	sadd.s32 s2, s17  }
0x8e: {  	[smem:$0x3FBD] =	sst s2  }
0x8f: {  	_ = 	snop  }
0x90: {  	s2 =	sld [smem:$0x3FD0];
	(tm) =	ssettm $0x1  }
0x91: {  	s18 =	sld [smem:$0x3FFB];
	_ =	sdelay $0x3  }
0x92: {  	_ =	strace s18  }
0x93: {  	s3 =	sld [smem:$0x3FFC];
	_ =	sdelay $0x3  }
0x94: {  	_ =	strace s3  }
0x95: {  	s3 =	sld [smem:$0x3FFD];
	_ =	sdelay $0x3  }
0x96: {  	_ =	strace s3  }
0x97: {  	_ =	strace $0x8FFFFFFF  }
0x98: {  	s19 =	sld [smem:$0x3FDB];
	_ =	sdelay $0x1  }
0x99: {  	s4 =	simm.s32 $_scs_section_size  }
0x9a: {  	s5 =	simm.s32 $_size__tile_overlayer_lowered;
	s6 =	simm.s32 $_tile_overlayer_lowered  }
0x9b: {  	s22 =	simm.s32 $0x1BFF;
	s21 =	sshll.u32 s6, $0x1;
	s3 =	sadd.s32 s4, s19  }
0x9c: {  	s7 =	simm.s32 $0x0;
	s20 =	sshll.u32 s5, $0x1;
	s5 =	sadd.s32 s21, s3  }
0x9d: {  	[timem:s7], [sflag:s22] =	dma.local [hbm:s5], s20  }
0x9e: {  	_ =	swait.ge [sflag:s22], s20  }
0x9f: {  	s4 =	ssub.s32 $0x0, s20;
	[sflag:s22] =	ssyncset.done $0x0  }
0xa0: {  	[sflag:s22] =	ssyncadd.s32 s4;
	_ =	sdelay $0x1  }
0xa1: {  	s23 =	simm.s32 $0x1B8B  }
0xa2: {  	_ =	swait.ge [sflag:s23], $0x1  }
0xa3: {  	[sflag:s23] =	ssyncset.done $0x0  }
0xa4: {  	s25 =	simm.s32 $0x1B8E;
	s24 =	sld [smem:$0x3FFE];
	[sflag:s23] =	ssyncadd.s32 $0xFFFFFFFF  }
0xa5: {  	s26 =	simm.s32 $execute0_lowered;
	[smem:$0x3FD2] =	sst s25  }
0xa6: {  	s5 =	sshll.u32 s26, $0x1;
	_ =	strace $0x80000046;
	[dreg:$0x1] =	wrdreg $0xFFFFFFFF  }
0xa7: {  	s28 =	simm.s32 $_size_execute0_lowered;
	s3 =	sadd.s32 s3, s5;
	[dreg:$0x0] =	wrdreg $0x0  }
0xa8: {  	s5 =	sshll.u32 s28, $0x1;
	[dreg:$0x2] =	wrdreg s3  }
0xa9: {  	[dreg:$0x3] =	wrdreg s5  }
0xaa: {  	[dreg:$0x4] =	wrdreg $0xC0  }
0xab: {  	_ =	task [dreg:s7], $0x5FFFF  }
0xac: {  	[dreg:$0x1] =	wrdreg $0xFFFFFFFF  }
0xad: {  	[dreg:$0x0] =	wrdreg $0x60  }
0xae: {  	[dreg:$0x2] =	wrdreg s24  }
0xaf: {  	[dreg:$0x3] =	wrdreg s2  }
0xb0: {  	[dreg:$0x4] =	wrdreg $0xBC000  }
0xb1: {  	[dreg:$0x5] =	wrdreg $0x9  }
0xb2: {  	_ =	task.clear_ibuf [dreg:s7], $0x6FFFF;
	_ =	strace $0x90000046  }
0xb3: {  	s29 =	simm.s32 $0x9;
	_ =	strace $0x80000048  }
0xb4: {  	_ =	swait.ge [sflag:s29], $0x1  }
0xb5: {  	[sflag:s29] =	ssyncadd.s32 $0xFFFFFFFF  }
0xb6: {  	_ =	strace $0x90000048  }
0xb7: {  	_ =	sfence  }
0xb8: {  	s30 =	sld [smem:$0x0];
	_ =	sdelay $0x2  }
0xb9: {  	s31 =	sshll.u32 s1, $0xD;
	s1 =	sshrl.u32 s1, $0x2  }
0xba: {  	s3 =	sand.u32 $0x4000, s31;
	s1 =	sadd.s32 s1, s30  }
0xbb: {  	s0 =	sor.u32 s3, s0;
	s1 =	sshll.u32 s1, $0x11  }
0xbc: {  	s0 =	sor.u32 s1, s0  }
0xbd: {  	s0 =	sadd.s32 $0x8F2B, s0  }
0xbe: {  	[sflag:s0] =	ssyncadd.remote.s32 $0x1  }
0xbf: {  	_ =	sfence.sel $0xFFFF  }
0xc0: {  	[dreg:$0x0] =	wrdreg $0xFFFFFFFF;
	(pc) =	sbr.abs _section_cstart, $3  }
0xc1: {  	[dreg:$0x1] =	wrdreg $0xFFFFFFFF  }
0xc2: {  	_ =	task.clear_ibuf [dreg:s7], $0x2FFFF;
	_ =	strace $0x9FFFFFFF  }
0xc3: {  	(tm) =	ssettm $0x7FFFFFFF  }
tec
execute0_lowered:
.L_overlay_start_1:
0x0: {  	(tag) =	ssettag $0x1  }
0x1: {  	s5 =	rddreg [dreg:$0x0]  }
0x2: {  	s0 =	srdreg.scid;
	s7 =	rddreg [dreg:$0x1]  }
0x3: {  	s2 =	rddreg [dreg:$0x2];
	s3 =	simm.s32 $0x0;
	s16 =	simm.s32 $0x80  }
0x4: {  	s17 =	simm.s32 $0x3C00;
	s6 =	sand.u32 $0x1, s0;
	s0 =	stileid.u32  }
0x5: {  	s18 =	simm.s32 $0x7C00;
	s19 =	simm.s32 $0x1;
	s9 =	smul.u32 $0x14000, s0  }
0x6: {  	s20 =	simm.s32 $0x0;
	[smem:$0x7FF] =	sst s3;
	s10 =	smul.u32 $0x140000, s6  }
0x7: {  	s1 =	sshll.u32 s6, $0x4;
	s6 =	ssub.s32 $0x2, s6;
	s13 =	smul.u32 $0x50000, s0  }
0x8: {  	s14 =	sshll.u32 s0, $0x6;
	s4 =	sor.u32 s0, s1;
	s1 =	rddreg [dreg:$0x3]  }
0x9: {  	_ =	strace $0x80000047;
	s30 =	sshrl.u32 s6, $0x1;
	s14 =	sor.u32 $0x1C02, s14  }
0xa: {  	s8 =	smul.u32 $0x280, s4;
	s4 =	sadd.s32 $0xB200, s5;
	s12 =	sshrl.u32 s9, $0x3  }
0xb: {  	s9 =	sadd.s32 s9, s10;
	s10 =	ssub.s32 s6, s30;
	s31 =	sshrl.u32 s13, $0x2  }
0xc: {  	s13 =	simm.s32 $0x2800;
	s12 =	sadd.s32 s12, s5;
	s9 =	sshrl.u32 s9, $0x3  }
0xd: {  	s15 =	sadd.s32 s31, s2;
	s10 =	smax.u32 s10, $0x1;
	s11 =	sadd.s32 s8, s5  }
0xe: {  	s9 =	sadd.s32 s9, s5;
	s5 =	sadd.s32 s7, s8;
	s8 =	sadd.s32 $0x429E00, s12  }
0xf: {  	s12 =	simm.s32 $0x1400;
	s15 =	sshrl.u32 s15, $0x3;
	s6 =	sadd.s32 $0x1200, s11  }
0x10: {  	s7 =	sadd.s32 $0x6200, s11;
	s9 =	sadd.s32 $0x451E00, s9;
	s11 =	simm.s32 $0x2  }
.LBB2_1:
0x11: {  	[tilespmem:s3], [sflag:$0x2] =	stream.linear.gather [hbm4b:s5+s3], $0x1400, $0x38;
	[tilespmem:$0x1FC00] =	vst v63  }
0x12: {  	_ =	swait.ge [sflag:s11], $0x1400  }
0x13: {  	[sflag:s11] =	ssyncset.done $0x0  }
0x14: {  	[sflag:s11] =	ssyncadd.s32 $0xFFFFEC00  }
0x15: {  	[tilespmem:s12], [sflag:$0x2] =	stream.linear.gather [hbm4b:s6+s3], $0x1400, $0x38;
	[tilespmem:$0x1FC00] =	vst v63  }
0x16: {  	_ =	swait.ge [sflag:s11], $0x1400  }
0x17: {  	[sflag:s11] =	ssyncset.done $0x0  }
0x18: {  	[sflag:s11] =	ssyncadd.s32 $0xFFFFEC00  }
0x19: {  	[tilespmem:s13], [sflag:$0x2] =	stream.linear.gather [hbm4b:s7+s3], $0x1400, $0x38;
	[tilespmem:$0x1FC00] =	vst v63  }
0x1a: {  	_ =	swait.ge [sflag:s11], $0x1400  }
0x1b: {  	[sflag:s11] =	ssyncset.done $0x0  }
0x1c: {  	[sflag:s11] =	ssyncadd.s32 $0xFFFFEC00  }
0x1d: {  	[spmem:s15], [sflag:s14] =	dma.local [hbm:s8], $0x2800  }
0x1e: {  	_ =	swait.ge [sflag:s11], $0x2800  }
0x1f: {  	[sflag:s11] =	ssyncset.done $0x0  }
0x20: {  	s21 =	simm.s32 $0x0;
	[sflag:s11] =	ssyncadd.s32 $0xFFFFD800  }
0x21: {  	v6 =	vld [tilespmem:s21+$0x1400]  }
0x22: {  	v11 =	vld [tilespmem:s21+$0x1410]  }
0x23: {  	v5 =	vld [tilespmem:s21+$0x1420]  }
0x24: {  	v4 =	vld [tilespmem:s21+$0x1430]  }
0x25: {  	v3 =	vld [tilespmem:s21+$0x1440]  }
0x26: {  	v2 =	vld [tilespmem:s21+$0x1450]  }
0x27: {  	v1 =	vld [tilespmem:s21+$0x1460]  }
0x28: {  	v0 =	vld [tilespmem:s21+$0x1470]  }
0x29: {  	v10 =	vld [tilespmem:s21+$0x0]  }
0x2a: {  	v9 =	vld [tilespmem:s21+$0x10]  }
0x2b: {  	v8 =	vld [tilespmem:s21+$0x20]  }
0x2c: {  	v7 =	vld [tilespmem:s21+$0x30];
	v12 =	vmul.u32 $0x2710, v6  }
0x2d: {  	s22 =	simm.s32 $0x200;
	v11 =	vmul.u32 $0x2710, v11;
	v6 =	vld [tilespmem:s21+$0x40]  }
.LBB2_2:
0x2e: {  	p0 =	sne.s32 s22, $0x4E00;
	v10 =	vadd.s32 v10, v12;
	v5 =	vmul.u32 $0x2710, v5;
	v12 =	vld [tilespmem:s21+$0x50]  }
0x2f: {  	v4 =	vmul.u32 $0x2710, v4;
	[tilespmem:s21+$0x0] =	vst v10;
	v9 =	vadd.s32 v9, v11;
	v10 =	vld [tilespmem:s21+$0x60]  }
0x30: {  	s23 =	sshra.s32 s22, $0x2;
	v3 =	vmul.u32 $0x2710, v3;
	[tilespmem:s21+$0x10] =	vst v9;
	v5 =	vadd.s32 v8, v5;
	v8 =	vld [tilespmem:s21+$0x70]  }
0x31: {  	v2 =	vmul.u32 $0x2710, v2;
	v11 =	vld [tilespmem:s23+$0x1400];
	[tilespmem:s21+$0x20] =	vst v5;
	v4 =	vadd.s32 v7, v4  }
0x32: {  	v1 =	vmul.u32 $0x2710, v1;
	v13 =	vld [tilespmem:s23+$0x1410];
	[tilespmem:s21+$0x30] =	vst v4;
	v3 =	vadd.s32 v6, v3  }
0x33: {  	v0 =	vmul.u32 $0x2710, v0;
	v5 =	vld [tilespmem:s23+$0x1420];
	[tilespmem:s21+$0x40] =	vst v3;
	v2 =	vadd.s32 v12, v2  }
0x34: {  	v4 =	vld [tilespmem:s23+$0x1430];
	[tilespmem:s21+$0x50] =	vst v2;
	v1 =	vadd.s32 v10, v1  }
0x35: {  	v3 =	vld [tilespmem:s23+$0x1440];
	[tilespmem:s21+$0x60] =	vst v1;
	v0 =	vadd.s32 v8, v0  }
0x36: {  	v2 =	vld [tilespmem:s23+$0x1450];
	[tilespmem:s21+$0x70] =	vst v0;
	s21 =	smov.u32 s23  }
0x37: {  	v1 =	vld [tilespmem:s21+$0x1460]  }
0x38: {  	v0 =	vld [tilespmem:s21+$0x1470]  }
.Ltmp0:
0x39: {  	v10 =	vld [tilespmem:s21+$0x0];
	(pc) =	sbr.rel @p0 .LBB2_2-.Ltmp0, $4  }
0x3a: {  	v9 =	vld [tilespmem:s21+$0x10]  }
0x3b: {  	v8 =	vld [tilespmem:s21+$0x20]  }
0x3c: {  	v12 =	vmul.u32 $0x2710, v11;
	v7 =	vld [tilespmem:s21+$0x30]  }
0x3d: {  	s22 =	sadd.s32 $0x200, s22;
	v11 =	vmul.u32 $0x2710, v13;
	v6 =	vld [tilespmem:s21+$0x40]  }
0x3e: {  	v10 =	vadd.s32 v10, v12;
	v61 =	vld [tilespmem:s21+$0x50];
	v5 =	vmul.u32 $0x2710, v5  }
0x3f: {  	v62 =	vld [tilespmem:s21+$0x60];
	v4 =	vmul.u32 $0x2710, v4;
	[tilespmem:s21+$0x0] =	vst v10;
	v9 =	vadd.s32 v9, v11  }
0x40: {  	v3 =	vmul.u32 $0x2710, v3;
	v63 =	vld [tilespmem:s21+$0x70];
	[tilespmem:s21+$0x10] =	vst v9;
	v5 =	vadd.s32 v8, v5  }
0x41: {  	v2 =	vmul.u32 $0x2710, v2;
	[tilespmem:s21+$0x20] =	vst v5;
	v4 =	vadd.s32 v7, v4  }
0x42: {  	v1 =	vmul.u32 $0x2710, v1;
	[tilespmem:s21+$0x30] =	vst v4;
	v3 =	vadd.s32 v6, v3  }
0x43: {  	v0 =	vmul.u32 $0x2710, v0;
	[tilespmem:s21+$0x40] =	vst v3;
	v2 =	vadd.s32 v61, v2  }
0x44: {  	v1 =	vadd.s32 v62, v1;
	[tilespmem:s21+$0x50] =	vst v2  }
0x45: {  	v0 =	vadd.s32 v63, v0;
	[tilespmem:s21+$0x60] =	vst v1  }
0x46: {  	[tilespmem:s21+$0x70] =	vst v0  }
0x47: {  	s31 =	simm.s32 $0x0;
	[bflag:$0x0] =	sbarrier.arrive $0xFFFF  }
0x48: {  	[tilespmem:s17], [sflag:$0x1] =	stream.indirect.gather [hbm4b:s4+s16], $0x80, s31, s16, $0xb8;
	[tilespmem:$0x1FC00] =	vst v63  }
0x49: {  	_ = 	snop  }
0x4a: {  	[tilespmem:s18], [sflag:$0x1] =	stream.indirect.gather [hbm4b:s4+s16], $0x80, s16, s16, $0xb8;
	[tilespmem:$0x1FC00] =	vst v63  }
0x4b: {  	s22 =	sand.u32 $0x10000, s31;
	_ =	swait.ge [sflag:s19], $0x4000  }
0x4c: {  	s23 =	simm.s32 $0x2800;
	s22 =	sshrl.u32 s22, $0x2;
	[sflag:s19] =	ssyncset.done $0x0  }
0x4d: {  	p1 =	por $0x0, $0x0;
	s25 =	sor.u32 $0x3C00, s22;
	[sflag:s19] =	ssyncadd.s32 $0xFFFFC000  }
0x4e: {  	[spmem:s2] =	stream.indirect.scatter.add.f32 [tilespmem:s25], [sflag:$0x2], $0x80, s23, s16, $0xb8;
	[tilespmem:$0x1FC00] =	vst v63  }
0x4f: {  	s24 =	simm.s32 $0x2880;
	s26 =	simm.s32 $0x180;
	_ =	swait.ge [sflag:s11], $0x4000  }
0x50: {  	s28 =	simm.s32 @!p1 $0x80;
	s22 =	simm.s32 $0x1;
	[sflag:s11] =	ssyncset.done $0x0  }
0x51: {  	s21 =	simm.s32 $0x100;
	s23 =	simm.s32 $0x10000;
	[sflag:s11] =	ssyncadd.s32 $0xFFFFC000  }
.LBB2_4:
0x52: {  	[tilespmem:s25], [sflag:$0x1] =	stream.indirect.gather @!p1 [hbm4b:s4+s28], $0x80, s21, s28, $0xb8;
	[tilespmem:$0x1FC00] =	vst v63  }
0x53: {  	s28 =	smov.u32 s22;
	s21 =	smov.u32 s26  }
0x54: {  	s25 =	sand.u32 $0x10000, s23;
	s22 =	sadd.s32 $0x1, s22;
	_ =	swait.ge [sflag:s19], $0x4000  }
0x55: {  	s25 =	sshrl.u32 s25, $0x2;
	p0 =	sne.s32 s22, $0x28;
	[sflag:s19] =	ssyncset.done $0x0  }
.Ltmp1:
0x56: {  	s25 =	sor.u32 $0x3C00, s25;
	[sflag:s19] =	ssyncadd.s32 $0xFFFFC000;
	(pc) =	sbr.rel @p0 .LBB2_4-.Ltmp1, $4  }
0x57: {  	[spmem:s2] =	stream.indirect.scatter.add.f32 [tilespmem:s25], [sflag:$0x2], $0x80, s24, s16, $0xb8;
	[tilespmem:$0x1FC00] =	vst v63  }
0x58: {  	s23 =	sadd.s32 $0x10000, s23;
	_ =	swait.ge [sflag:s11], $0x4000  }
0x59: {  	p1 =	sgt.u32 s28, $0x25;
	s24 =	sadd.s32 $0x80, s24;
	[sflag:s11] =	ssyncset.done $0x0  }
0x5a: {  	s26 =	sadd.s32 $0x80, s26;
	s28 =	simm.s32 @!p1 $0x80;
	[sflag:s11] =	ssyncadd.s32 $0xFFFFC000  }
0x5b: {  	[tilespmem:s25], [sflag:$0x1] =	stream.indirect.gather @!p1 [hbm4b:s4+s28], $0x80, s21, s28, $0xb8;
	[tilespmem:$0x1FC00] =	vst v63  }
0x5c: {  	s20 =	sadd.s32 $0x1, s20  }
0x5d: {  	p0 =	sne.s32 s20, s10  }
.Ltmp2:
0x5e: {  	[bflag:$0x0] =	sbarrier.arrive $0xFFFF;
	(pc) =	sbr.rel @p0 .LBB2_1-.Ltmp2, $4  }
0x5f: {  	[hbm:s9], [sflag:s14] =	dma.local [spmem:s15], $0x2800  }
0x60: {  	_ =	swait.ge [sflag:s11], $0x2800  }
0x61: {  	[sflag:s11] =	ssyncset.done $0x0  }
0x62: {  	[sflag:s11] =	ssyncadd.s32 $0xFFFFD800  }
0x63: {  	_ =	sfence.sel $0x180000  }
0x64: {  	[bflag:$0x0] =	sbarrier.arrive $0xFFFF  }
0x65: {  	p0 =	sne.s32 s0, $0x0;
	_ =	strace $0x90000047  }
0x66: {  	s0 =	sadd.s32 @!p0 $0x100000, s1;
	[bflag:$0x2] =	sbarrier.arrive $0xFFFF  }
0x67: {  	[sflag:s0] =	ssyncadd.tile.s32 @!p0 $0x1;
	_ =	shalt  }
.Lfunc_end2:
_tile_overlayer_lowered:
.L_overlay_start_2:
0x68: {  	(tag) =	ssettag $0x2  }
0x69: {  	s0 =	rddreg [dreg:$0x0];
	s2 =	stileid.u32  }
0x6a: {  	s1 =	rddreg [dreg:$0x1];
	p0 =	sne.s32 s2, $0x0  }
0x6b: {  	s3 =	rddreg [dreg:$0x2];
	[bflag:$0x3] =	sbarrier.arrive $0xFFFF;
	s2 =	simm.s32 @!p0 $0x1C02  }
0x6c: {  	[timem:s3], [sflag:s2] =	dma.local @!p0 [hbm:s0], s1  }
0x6d: {  	s0 =	simm.s32 @!p0 $0x2  }
0x6e: {  	_ =	swait.ge @!p0 [sflag:s0], s1  }
0x6f: {  	s1 =	ssub.s32 @!p0 $0x0, s1;
	[sflag:s0] =	ssyncset.done @!p0 $0x0  }
0x70: {  	[sflag:s0] =	ssyncadd.s32 @!p0 s1  }
0x71: {  	[bflag:$0x3] =	sbarrier.arrive $0xFFFF  }
0x72: {  	_ =	shalt  }

</sc_bundles>
